<compile_context>
chip_gen: v7x
topology: tpu7x:2x2x1
jax: 0.10.2.dev20260603
libtpu: 0.0.44.dev20260713+nightly
codegen_flags: <defaults>
</compile_context>

<pallas_src>
import functools

import jax
import jax.numpy as jnp
from jax import lax
from jax.experimental import pallas as pl
from jax.experimental.pallas import tpu as pltpu
from jax.experimental.pallas import tpu_sc as plsc

B, NE, H, R = 128, 64, 768, 128
N = B * NE
POS = 512
NT_PAD = 16

SC_NC, SC_NS, SC_L = 2, 16, 16
NW = SC_NC * SC_NS
ROWS_PER_W = N // NW
CHUNK = 128
NCHUNK = ROWS_PER_W // CHUNK


def _tables_body(type16_ref, post_ref, w1_ref, w2_ref, w3_ref, b_ref,
                 tt_ref, pt_ref, w1bf_ref):
    w1bf_ref[...] = w1_ref[...].astype(jnp.bfloat16)
    tt_ref[...] = lax.dot_general(
        type16_ref[...], w2_ref[...], (((1,), (1,)), ((), ())),
        preferred_element_type=jnp.float32)
    pt = lax.dot_general(
        post_ref[...], w3_ref[...], (((1,), (1,)), ((), ())),
        preferred_element_type=jnp.float32) + b_ref[...]
    u = lax.bitcast_convert_type(pt, jnp.int32)
    r = u + 0x7FFF + jnp.bitwise_and(lax.shift_right_logical(u, 16), 1)
    lo = lax.shift_right_logical(r[:, :H // 2], 16)
    hi = jnp.bitwise_and(r[:, H // 2:], jnp.int32(-65536))
    pt_ref[...] = jnp.bitwise_or(hi, lo)


def _tables(type16, pos_table, W_proj, b2d):
    return pl.pallas_call(
        _tables_body,
        grid=(1,),
        in_specs=[
            pl.BlockSpec((NT_PAD, H), lambda i: (0, 0)),
            pl.BlockSpec((POS, H), lambda i: (0, 0)),
            pl.BlockSpec((H, H), lambda i: (0, 0)),
            pl.BlockSpec((H, H), lambda i: (0, 1)),
            pl.BlockSpec((H, H), lambda i: (0, 2)),
            pl.BlockSpec((1, H), lambda i: (0, 0)),
        ],
        out_specs=(
            pl.BlockSpec((NT_PAD, H), lambda i: (0, 0)),
            pl.BlockSpec((POS, H // 2), lambda i: (0, 0)),
            pl.BlockSpec((H, H), lambda i: (0, 0)),
        ),
        out_shape=(
            jax.ShapeDtypeStruct((NT_PAD, H), jnp.float32),
            jax.ShapeDtypeStruct((POS, H // 2), jnp.int32),
            jax.ShapeDtypeStruct((H, H), jnp.bfloat16),
        ),
    )(type16, pos_table, W_proj, W_proj, W_proj, b2d)


def _gather_body(pt_hbm, pidx_hbm, out_hbm, idx_v, rows_v, sem):
    wid = lax.axis_index("s") * SC_NC + lax.axis_index("c")
    for c in range(NCHUNK):
        base = wid * ROWS_PER_W + c * CHUNK
        pltpu.sync_copy(pidx_hbm.at[pl.ds(base, CHUNK)], idx_v)
        pltpu.async_copy(pt_hbm.at[idx_v], rows_v, sem).wait()
        pltpu.sync_copy(rows_v, out_hbm.at[pl.ds(base, CHUNK)])


def _sc_gather(pt_i32, pidx):
    k = functools.partial(
        pl.kernel,
        mesh=plsc.VectorSubcoreMesh(core_axis_name="c", subcore_axis_name="s"),
        out_type=jax.ShapeDtypeStruct((N, H // 2), jnp.int32),
        scratch_types=[
            pltpu.VMEM((CHUNK,), jnp.int32),
            pltpu.VMEM((CHUNK, H // 2), jnp.int32),
            pltpu.SemaphoreType.DMA,
        ],
    )(_gather_body)
    return k(pt_i32, pidx)


MROWS = 1024


def _main_body(x_ref, g_ref, oh_ref, w1_ref, tt_ref, gamma_ref, beta_ref,
               o_ref):
    acc = lax.dot_general(
        x_ref[...].astype(jnp.bfloat16), w1_ref[...],
        (((1,), (1,)), ((), ())),
        preferred_element_type=jnp.float32)
    acc = acc + lax.dot_general(
        oh_ref[...], tt_ref[...], (((1,), (0,)), ((), ())),
        preferred_element_type=jnp.float32)
    w = g_ref[...]
    lo_f = lax.bitcast_convert_type(lax.shift_left(w, 16), jnp.float32)
    hi_f = lax.bitcast_convert_type(
        jnp.bitwise_and(w, jnp.int32(-65536)), jnp.float32)
    acc = acc + jnp.concatenate([lo_f, hi_f], axis=1)
    m = jnp.mean(acc, axis=-1, keepdims=True)
    d = acc - m
    v = jnp.mean(d * d, axis=-1, keepdims=True)
    o_ref[...] = d * lax.rsqrt(v + 1e-5) * gamma_ref[...] + beta_ref[...]


def _main(x, g, oh, w1bf, tt, gamma2d, beta2d):
    return pl.pallas_call(
        _main_body,
        grid=(N // MROWS,),
        in_specs=[
            pl.BlockSpec((MROWS, H), lambda i: (i, 0)),
            pl.BlockSpec((MROWS, H // 2), lambda i: (i, 0)),
            pl.BlockSpec((MROWS, NT_PAD), lambda i: (i, 0)),
            pl.BlockSpec((H, H), lambda i: (0, 0)),
            pl.BlockSpec((NT_PAD, H), lambda i: (0, 0)),
            pl.BlockSpec((1, H), lambda i: (0, 0)),
            pl.BlockSpec((1, H), lambda i: (0, 0)),
        ],
        out_specs=pl.BlockSpec((MROWS, H), lambda i: (i, 0)),
        out_shape=jax.ShapeDtypeStruct((N, H), jnp.float32),
        compiler_params=pltpu.CompilerParams(
            dimension_semantics=("parallel",)),
    )(x, g, oh, w1bf, tt, gamma2d, beta2d)


NEDGE = 2 * R + NE


def _edge_body(h_ref, t_ref, r_ref, ei_ref, et_ref, bi_ref):
    off = lax.broadcasted_iota(jnp.int32, (B, R), 0) * NE
    h = h_ref[...] + off
    t = t_ref[...] + off
    sh = jnp.int32(65536)
    j2 = (lax.broadcasted_iota(jnp.int32, (B, NE // 2), 1) * 2
          + lax.broadcasted_iota(jnp.int32, (B, NE // 2), 0) * NE)
    selfp = j2 + (j2 + 1) * sh
    ei_ref[0] = jnp.concatenate([h + t * sh, selfp], axis=1)
    ei_ref[1] = jnp.concatenate([t + h * sh, selfp], axis=1)
    rt = r_ref[...]
    et_ref[...] = jnp.concatenate(
        [rt + rt * sh, jnp.zeros((B, NE // 2), jnp.int32)], axis=1)
    bi_ref[...] = lax.broadcasted_iota(jnp.int32, (B, NE), 0)


def _edges(rel_head, rel_tail, rel_type):
    return pl.pallas_call(
        _edge_body,
        out_shape=(
            jax.ShapeDtypeStruct((2, B, NEDGE // 2), jnp.int32),
            jax.ShapeDtypeStruct((B, NEDGE // 2), jnp.int32),
            jax.ShapeDtypeStruct((B, NE), jnp.int32),
        ),
    )(rel_head, rel_tail, rel_type)


def kernel(entity_repr, entity_type, entity_pos, rel_head, rel_tail,
           rel_type, sequence_output, W_proj, b_proj, type_table, pos_table,
           ln_gamma, ln_beta):
    type16 = jnp.zeros((NT_PAD, H), jnp.float32).at[:9].set(type_table)
    b2d = b_proj.reshape(1, H)
    gamma2d = ln_gamma.reshape(1, H)
    beta2d = ln_beta.reshape(1, H)
    tidx = entity_type.reshape(N).astype(jnp.int32)
    pidx = entity_pos.reshape(N).astype(jnp.int32)
    oh = (tidx[:, None] == jnp.arange(NT_PAD, dtype=jnp.int32)).astype(
        jnp.float32)
    x = entity_repr.reshape(N, H)

    tt, pt_i32, w1bf = _tables(type16, pos_table, W_proj, b2d)
    g_i32 = _sc_gather(pt_i32, pidx)
    node_features = _main(x, g_i32, oh, w1bf, tt, gamma2d, beta2d)

    ei_p, et_p, bi = _edges(rel_head.astype(jnp.int32),
                            rel_tail.astype(jnp.int32),
                            rel_type.astype(jnp.int32))
    edge_index = lax.bitcast_convert_type(ei_p, jnp.int16).reshape(
        2, B * NEDGE).astype(rel_head.dtype)
    edge_type = lax.bitcast_convert_type(et_p, jnp.int16).reshape(
        B * NEDGE).astype(rel_type.dtype)
    batch_indices = bi.reshape(-1)
    return node_features, edge_index, edge_type, batch_indices

# --- scband reference (transcript-rebuilt; emitter-appended) ---
"""Pipeline reference for scband-graph-writer-33913061769603 (READ-ONLY COPY).

The authoritative reference and input builder live on the scoring server;
editing this copy changes nothing except your own understanding.
"""

import jax, jax.numpy as jnp
import numpy as np

B, NE, H, R = 128, 64, 768, 128
NUM_ENTITY_TYPES = 9
POS_TABLE_SIZE = 512
SEQ_LEN = 512


def setup_inputs(seed: int = 0) -> dict:
    key = jax.random.key(seed)
    ks = jax.random.split(key, 12)
    entity_repr = jax.random.normal(ks[0], (B, NE, H), dtype=jnp.float32)
    entity_type = jax.random.randint(ks[1], (B, NE), 0, NUM_ENTITY_TYPES, dtype=jnp.int64)
    entity_pos = jax.random.randint(ks[2], (B, NE), 0, POS_TABLE_SIZE, dtype=jnp.int64)
    rel_head = jax.random.randint(ks[3], (B, R), 0, NE, dtype=jnp.int64)
    rel_tail = jax.random.randint(ks[4], (B, R), 0, NE, dtype=jnp.int64)
    rel_type = jax.random.randint(ks[5], (B, R), 0, 10, dtype=jnp.int64)
    sequence_output = jax.random.normal(ks[6], (B, SEQ_LEN, H), dtype=jnp.float32)
    # learned parameters
    type_table = jax.random.normal(ks[7], (NUM_ENTITY_TYPES, H), dtype=jnp.float32)
    pos_table = jax.random.normal(ks[8], (POS_TABLE_SIZE, H), dtype=jnp.float32)
    W_proj = jax.random.normal(ks[9], (H, 3 * H), dtype=jnp.float32) * (1.0 / np.sqrt(3 * H))
    b_proj = jnp.zeros((H,), dtype=jnp.float32)
    ln_gamma = jnp.ones((H,), dtype=jnp.float32)
    ln_beta = jnp.zeros((H,), dtype=jnp.float32)
    return {
        'entity_repr': entity_repr, 'entity_type': entity_type, 'entity_pos': entity_pos,
        'rel_head': rel_head, 'rel_tail': rel_tail, 'rel_type': rel_type,
        'sequence_output': sequence_output,
        'W_proj': W_proj, 'b_proj': b_proj, 'type_table': type_table,
        'pos_table': pos_table, 'ln_gamma': ln_gamma, 'ln_beta': ln_beta,
    }


def reference(entity_repr, entity_type, entity_pos, rel_head, rel_tail, rel_type,
              sequence_output, W_proj, b_proj, type_table, pos_table, ln_gamma, ln_beta):
    b, ne, h = entity_repr.shape
    # node feature construction: text repr + type embedding + position embedding
    type_emb = jnp.take(type_table, entity_type, axis=0)   # [B, NE, H]
    pos_emb = jnp.take(pos_table, entity_pos, axis=0)      # [B, NE, H]
    combined = jnp.concatenate([entity_repr, type_emb, pos_emb], axis=-1)  # [B, NE, 3H]
    node = jnp.einsum('bnk,hk->bnh', combined, W_proj) + b_proj
    # LayerNorm over last dim (eps=1e-5, biased variance, matching torch)
    mean = jnp.mean(node, axis=-1, keepdims=True)
    var = jnp.var(node, axis=-1, keepdims=True)
    node = (node - mean) / jnp.sqrt(var + 1e-5) * ln_gamma + ln_beta
    node_features = node.reshape(b * ne, h)
    # edges: each relation emits (head,tail) and (tail,head), offset by node_offset
    offsets = (jnp.arange(b, dtype=rel_head.dtype) * ne)[:, None]
    heads = rel_head + offsets
    tails = rel_tail + offsets
    fwd_e = jnp.stack([heads, tails], axis=-1)   # [B, R, 2]
    rev_e = jnp.stack([tails, heads], axis=-1)   # [B, R, 2]
    rel_edges = jnp.stack([fwd_e, rev_e], axis=2).reshape(b, -1, 2)  # [B, 2R, 2] interleaved
    rel_types2 = jnp.repeat(rel_type, 2, axis=1)                     # [B, 2R]
    # self loops with type 0
    self_idx = offsets + jnp.arange(ne, dtype=rel_head.dtype)[None, :]
    self_edges = jnp.stack([self_idx, self_idx], axis=-1)            # [B, NE, 2]
    edges = jnp.concatenate([rel_edges, self_edges], axis=1).reshape(-1, 2)
    edge_index = edges.T  # [2, total_edges]
    edge_type = jnp.concatenate(
        [rel_types2, jnp.zeros((b, ne), dtype=rel_type.dtype)], axis=1).reshape(-1)
    batch_indices = jnp.repeat(jnp.arange(b), ne)
    return node_features, edge_index, edge_type, batch_indices

if __name__ == "__main__":
    import jax
    _d = setup_inputs()
    print(jax.jit(kernel)(*tuple(_d.values())))

</pallas_src>

<mosaic_0001>
#map = affine_map<(d0, d1) -> (0, 0)>
#map1 = affine_map<(d0, d1) -> (0)>
module attributes {stable_mosaic.version = 14 : i64} {
  func.func @_gather_body(%arg0: i32, %arg1: i32, %arg2: memref<512x384xi32, #tpu.memory_space<hbm>>, %arg3: memref<8192xi32, #tpu.memory_space<hbm>>, %arg4: memref<8192x384xi32, #tpu.memory_space<hbm>>, %arg5: memref<128xi32, #tpu.memory_space<vmem>>, %arg6: memref<128x384xi32, #tpu.memory_space<vmem>>, %arg7: memref<!tpu.dma_semaphore, #tpu.memory_space<semaphore_mem>>) attributes {dimension_semantics = [#tpu.dimension_semantics<core_parallel>, #tpu.dimension_semantics<subcore_parallel>], iteration_bounds = array<i64: 2, 16>, scalar_prefetch = 0 : i64, scratch_operands = 3 : i64, tpu.core_type = #tpu.core_type<sc_vector_subcore>, window_params = [{transform_indices = #map}, {transform_indices = #map1}, {transform_indices = #map}]} {
    %mul3A = arith.constant 2 : i32
    %mul3A_0 = arith.muli %arg1, %mul3A : i32
    %add3A = arith.addi %mul3A_0, %arg0 : i32
    %mul3A_1 = arith.constant 256 : i32
    %mul3A_2 = arith.muli %add3A, %mul3A_1 : i32
    %add3A_3 = arith.constant 0 : i32
    %add3A_4 = arith.addi %mul3A_2, %add3A_3 : i32
    "tpu.region"() ({
      %run_scoped3A = tpu.sem_alloc : memref<!tpu.dma_semaphore, #tpu.memory_space<semaphore_mem>>
      %dma_start3A_19 = tpu.memref_slice %arg3[%add3A_4] : memref<8192xi32, #tpu.memory_space<hbm>> -> memref<128xi32, #tpu.memory_space<hbm>>
      %dma_start3A_20 = tpu.memref_slice %arg3[%add3A_4] : memref<8192xi32, #tpu.memory_space<hbm>> -> memref<128xi32, #tpu.memory_space<hbm>>
      tpu.enqueue_dma source(%dma_start3A_20 : memref<128xi32, #tpu.memory_space<hbm>>) target(%arg5 : memref<128xi32, #tpu.memory_space<vmem>>) target_semaphore(%run_scoped3A : memref<!tpu.dma_semaphore, #tpu.memory_space<semaphore_mem>>)
      %dma_wait3A_21 = tpu.memref_slice %arg3[%add3A_4] : memref<8192xi32, #tpu.memory_space<hbm>> -> memref<128xi32, #tpu.memory_space<hbm>>
      %dma_wait3A_22 = tpu.memref_slice %arg3[%add3A_4] : memref<8192xi32, #tpu.memory_space<hbm>> -> memref<128xi32, #tpu.memory_space<hbm>>
      tpu.wait_dma2 semaphore(%run_scoped3A : memref<!tpu.dma_semaphore, #tpu.memory_space<semaphore_mem>>) src(%dma_wait3A_22 : memref<128xi32, #tpu.memory_space<hbm>>) dst(%arg5 : memref<128xi32, #tpu.memory_space<vmem>>)
      tpu.yield
    }) : () -> ()
    %dma_start3A = arith.constant 0 : i32
    %dma_start3A_5 = arith.constant 0 : i32
    %dma_start3A_6 = tpu.memref_slice %arg2[%dma_start3A, %dma_start3A_5] : memref<512x384xi32, #tpu.memory_space<hbm>> -> memref<512x384xi32, #tpu.memory_space<hbm>>
    tpu.enqueue_indirect_dma source(%dma_start3A_6 : memref<512x384xi32, #tpu.memory_space<hbm>>) target(%arg6 : memref<128x384xi32, #tpu.memory_space<vmem>>) offsets(%arg5 : memref<128xi32, #tpu.memory_space<vmem>>) semaphore(%arg7 : memref<!tpu.dma_semaphore, #tpu.memory_space<semaphore_mem>>)
    %dma_wait3A = arith.constant 0 : i32
    %dma_wait3A_7 = arith.constant 0 : i32
    %dma_wait3A_8 = tpu.memref_slice %arg2[%dma_wait3A, %dma_wait3A_7] : memref<512x384xi32, #tpu.memory_space<hbm>> -> memref<512x384xi32, #tpu.memory_space<hbm>>
    tpu.wait_indirect_dma semaphore(%arg7 : memref<!tpu.dma_semaphore, #tpu.memory_space<semaphore_mem>>) src(%dma_wait3A_8 : memref<512x384xi32, #tpu.memory_space<hbm>>) dst(%arg6 : memref<128x384xi32, #tpu.memory_space<vmem>>)
    "tpu.region"() ({
      %run_scoped3A = tpu.sem_alloc : memref<!tpu.dma_semaphore, #tpu.memory_space<semaphore_mem>>
      %dma_start3A_19 = arith.constant 0 : i32
      %dma_start3A_20 = tpu.memref_slice %arg4[%add3A_4, %dma_start3A_19] : memref<8192x384xi32, #tpu.memory_space<hbm>> -> memref<128x384xi32, #tpu.memory_space<hbm>>
      %dma_start3A_21 = arith.constant 0 : i32
      %dma_start3A_22 = tpu.memref_slice %arg4[%add3A_4, %dma_start3A_21] : memref<8192x384xi32, #tpu.memory_space<hbm>> -> memref<128x384xi32, #tpu.memory_space<hbm>>
      tpu.enqueue_dma source(%arg6 : memref<128x384xi32, #tpu.memory_space<vmem>>) target(%dma_start3A_22 : memref<128x384xi32, #tpu.memory_space<hbm>>) target_semaphore(%run_scoped3A : memref<!tpu.dma_semaphore, #tpu.memory_space<semaphore_mem>>)
      %dma_wait3A_23 = arith.constant 0 : i32
      %dma_wait3A_24 = tpu.memref_slice %arg4[%add3A_4, %dma_wait3A_23] : memref<8192x384xi32, #tpu.memory_space<hbm>> -> memref<128x384xi32, #tpu.memory_space<hbm>>
      %dma_wait3A_25 = arith.constant 0 : i32
      %dma_wait3A_26 = tpu.memref_slice %arg4[%add3A_4, %dma_wait3A_25] : memref<8192x384xi32, #tpu.memory_space<hbm>> -> memref<128x384xi32, #tpu.memory_space<hbm>>
      tpu.wait_dma2 semaphore(%run_scoped3A : memref<!tpu.dma_semaphore, #tpu.memory_space<semaphore_mem>>) src(%arg6 : memref<128x384xi32, #tpu.memory_space<vmem>>) dst(%dma_wait3A_26 : memref<128x384xi32, #tpu.memory_space<hbm>>)
      tpu.yield
    }) : () -> ()
    %mul3A_9 = arith.constant 256 : i32
    %mul3A_10 = arith.muli %add3A, %mul3A_9 : i32
    %add3A_11 = arith.constant 128 : i32
    %add3A_12 = arith.addi %mul3A_10, %add3A_11 : i32
    "tpu.region"() ({
      %run_scoped3A = tpu.sem_alloc : memref<!tpu.dma_semaphore, #tpu.memory_space<semaphore_mem>>
      %dma_start3A_19 = tpu.memref_slice %arg3[%add3A_12] : memref<8192xi32, #tpu.memory_space<hbm>> -> memref<128xi32, #tpu.memory_space<hbm>>
      %dma_start3A_20 = tpu.memref_slice %arg3[%add3A_12] : memref<8192xi32, #tpu.memory_space<hbm>> -> memref<128xi32, #tpu.memory_space<hbm>>
      tpu.enqueue_dma source(%dma_start3A_20 : memref<128xi32, #tpu.memory_space<hbm>>) target(%arg5 : memref<128xi32, #tpu.memory_space<vmem>>) target_semaphore(%run_scoped3A : memref<!tpu.dma_semaphore, #tpu.memory_space<semaphore_mem>>)
      %dma_wait3A_21 = tpu.memref_slice %arg3[%add3A_12] : memref<8192xi32, #tpu.memory_space<hbm>> -> memref<128xi32, #tpu.memory_space<hbm>>
      %dma_wait3A_22 = tpu.memref_slice %arg3[%add3A_12] : memref<8192xi32, #tpu.memory_space<hbm>> -> memref<128xi32, #tpu.memory_space<hbm>>
      tpu.wait_dma2 semaphore(%run_scoped3A : memref<!tpu.dma_semaphore, #tpu.memory_space<semaphore_mem>>) src(%dma_wait3A_22 : memref<128xi32, #tpu.memory_space<hbm>>) dst(%arg5 : memref<128xi32, #tpu.memory_space<vmem>>)
      tpu.yield
    }) : () -> ()
    %dma_start3A_13 = arith.constant 0 : i32
    %dma_start3A_14 = arith.constant 0 : i32
    %dma_start3A_15 = tpu.memref_slice %arg2[%dma_start3A_13, %dma_start3A_14] : memref<512x384xi32, #tpu.memory_space<hbm>> -> memref<512x384xi32, #tpu.memory_space<hbm>>
    tpu.enqueue_indirect_dma source(%dma_start3A_15 : memref<512x384xi32, #tpu.memory_space<hbm>>) target(%arg6 : memref<128x384xi32, #tpu.memory_space<vmem>>) offsets(%arg5 : memref<128xi32, #tpu.memory_space<vmem>>) semaphore(%arg7 : memref<!tpu.dma_semaphore, #tpu.memory_space<semaphore_mem>>)
    %dma_wait3A_16 = arith.constant 0 : i32
    %dma_wait3A_17 = arith.constant 0 : i32
    %dma_wait3A_18 = tpu.memref_slice %arg2[%dma_wait3A_16, %dma_wait3A_17] : memref<512x384xi32, #tpu.memory_space<hbm>> -> memref<512x384xi32, #tpu.memory_space<hbm>>
    tpu.wait_indirect_dma semaphore(%arg7 : memref<!tpu.dma_semaphore, #tpu.memory_space<semaphore_mem>>) src(%dma_wait3A_18 : memref<512x384xi32, #tpu.memory_space<hbm>>) dst(%arg6 : memref<128x384xi32, #tpu.memory_space<vmem>>)
    "tpu.region"() ({
      %run_scoped3A = tpu.sem_alloc : memref<!tpu.dma_semaphore, #tpu.memory_space<semaphore_mem>>
      %dma_start3A_19 = arith.constant 0 : i32
      %dma_start3A_20 = tpu.memref_slice %arg4[%add3A_12, %dma_start3A_19] : memref<8192x384xi32, #tpu.memory_space<hbm>> -> memref<128x384xi32, #tpu.memory_space<hbm>>
      %dma_start3A_21 = arith.constant 0 : i32
      %dma_start3A_22 = tpu.memref_slice %arg4[%add3A_12, %dma_start3A_21] : memref<8192x384xi32, #tpu.memory_space<hbm>> -> memref<128x384xi32, #tpu.memory_space<hbm>>
      tpu.enqueue_dma source(%arg6 : memref<128x384xi32, #tpu.memory_space<vmem>>) target(%dma_start3A_22 : memref<128x384xi32, #tpu.memory_space<hbm>>) target_semaphore(%run_scoped3A : memref<!tpu.dma_semaphore, #tpu.memory_space<semaphore_mem>>)
      %dma_wait3A_23 = arith.constant 0 : i32
      %dma_wait3A_24 = tpu.memref_slice %arg4[%add3A_12, %dma_wait3A_23] : memref<8192x384xi32, #tpu.memory_space<hbm>> -> memref<128x384xi32, #tpu.memory_space<hbm>>
      %dma_wait3A_25 = arith.constant 0 : i32
      %dma_wait3A_26 = tpu.memref_slice %arg4[%add3A_12, %dma_wait3A_25] : memref<8192x384xi32, #tpu.memory_space<hbm>> -> memref<128x384xi32, #tpu.memory_space<hbm>>
      tpu.wait_dma2 semaphore(%run_scoped3A : memref<!tpu.dma_semaphore, #tpu.memory_space<semaphore_mem>>) src(%arg6 : memref<128x384xi32, #tpu.memory_space<vmem>>) dst(%dma_wait3A_26 : memref<128x384xi32, #tpu.memory_space<hbm>>)
      tpu.yield
    }) : () -> ()
    return
  }
}

module attributes {stable_mosaic.version = 14 : i64} {
  func.func @_tables_body(%arg0: i32, %arg1: memref<16x768xf32, #tpu.memory_space<vmem>>, %arg2: memref<512x768xf32, #tpu.memory_space<vmem>>, %arg3: memref<768x768xf32, #tpu.memory_space<vmem>>, %arg4: memref<768x768xf32, #tpu.memory_space<vmem>>, %arg5: memref<768x768xf32, #tpu.memory_space<vmem>>, %arg6: memref<1x768xf32, #tpu.memory_space<vmem>>, %arg7: memref<16x768xf32, #tpu.memory_space<vmem>>, %arg8: memref<512x384xi32, #tpu.memory_space<vmem>>, %arg9: memref<768x768xbf16, #tpu.memory_space<vmem>>) attributes {dimension_semantics = [#tpu.dimension_semantics<arbitrary>], iteration_bounds = array<i64: 1>, scalar_prefetch = 0 : i64, scratch_operands = 0 : i64, tpu.core_type = #tpu.core_type<tc>, window_params = [{pipeline_mode = #tpu.pipeline_mode<synchronous>, transform_indices = @transform_0, window_bounds = array<i64: 16, 768>}, {pipeline_mode = #tpu.pipeline_mode<synchronous>, transform_indices = @transform_1, window_bounds = array<i64: 512, 768>}, {transform_indices = @transform_2, window_bounds = array<i64: 768, 768>}, {transform_indices = @transform_3, window_bounds = array<i64: 768, 768>}, {transform_indices = @transform_4, window_bounds = array<i64: 768, 768>}, {pipeline_mode = #tpu.pipeline_mode<synchronous>, transform_indices = @transform_5, window_bounds = array<i64: 1, 768>}, {pipeline_mode = #tpu.pipeline_mode<synchronous>, transform_indices = @transform_6, window_bounds = array<i64: 16, 768>}, {pipeline_mode = #tpu.pipeline_mode<synchronous>, transform_indices = @transform_7, window_bounds = array<i64: 512, 384>}, {pipeline_mode = #tpu.pipeline_mode<synchronous>, transform_indices = @transform_8, window_bounds = array<i64: 768, 768>}]} {
    %get3A = arith.constant 0 : index
    %get3A_0 = arith.constant 0 : index
    %get3A_1 = vector.load %arg3[%get3A, %get3A_0] : memref<768x768xf32, #tpu.memory_space<vmem>>, vector<768x768xf32>
    %convert_element_type3A = arith.truncf %get3A_1 : vector<768x768xf32> to vector<768x768xbf16>
    %swap3A = arith.constant 0 : index
    %swap3A_2 = arith.constant 0 : index
    %swap3A_3 = vector.load %arg9[%swap3A, %swap3A_2] : memref<768x768xbf16, #tpu.memory_space<vmem>>, vector<768x768xbf16>
    tpu.vector_store %arg9[%swap3A, %swap3A_2], %convert_element_type3A {strides = array<i32>} : memref<768x768xbf16, #tpu.memory_space<vmem>>, vector<768x768xbf16>,
    %get3A_4 = arith.constant 0 : index
    %get3A_5 = arith.constant 0 : index
    %get3A_6 = vector.load %arg1[%get3A_4, %get3A_5] : memref<16x768xf32, #tpu.memory_space<vmem>>, vector<16x768xf32>
    %get3A_7 = arith.constant 0 : index
    %get3A_8 = arith.constant 0 : index
    %get3A_9 = vector.load %arg4[%get3A_7, %get3A_8] : memref<768x768xf32, #tpu.memory_space<vmem>>, vector<768x768xf32>
    %dot_general3A = arith.constant dense<0.000000e+00> : vector<16x768xf32>
    %dot_general3A_10 = tpu.matmul %get3A_6, %get3A_9, %dot_general3A {dimension_numbers = #tpu.dot_dimension_numbers<[1], [1], [0], [0], [0, 0, 1, 0], [], []>, transpose_lhs_hint = false} : vector<16x768xf32>, vector<768x768xf32>, vector<16x768xf32> -> vector<16x768xf32>
    %swap3A_11 = arith.constant 0 : index
    %swap3A_12 = arith.constant 0 : index
    %swap3A_13 = vector.load %arg7[%swap3A_11, %swap3A_12] : memref<16x768xf32, #tpu.memory_space<vmem>>, vector<16x768xf32>
    tpu.vector_store %arg7[%swap3A_11, %swap3A_12], %dot_general3A_10 {strides = array<i32>} : memref<16x768xf32, #tpu.memory_space<vmem>>, vector<16x768xf32>,
    %get3A_14 = arith.constant 0 : index
    %get3A_15 = arith.constant 0 : index
    %get3A_16 = vector.load %arg2[%get3A_14, %get3A_15] : memref<512x768xf32, #tpu.memory_space<vmem>>, vector<512x768xf32>
    %get3A_17 = arith.constant 0 : index
    %get3A_18 = arith.constant 0 : index
    %get3A_19 = vector.load %arg5[%get3A_17, %get3A_18] : memref<768x768xf32, #tpu.memory_space<vmem>>, vector<768x768xf32>
    %dot_general3A_20 = arith.constant dense<0.000000e+00> : vector<512x768xf32>
    %dot_general3A_21 = tpu.matmul %get3A_16, %get3A_19, %dot_general3A_20 {dimension_numbers = #tpu.dot_dimension_numbers<[1], [1], [0], [0], [0, 0, 1, 0], [], []>, transpose_lhs_hint = false} : vector<512x768xf32>, vector<768x768xf32>, vector<512x768xf32> -> vector<512x768xf32>
    %get3A_22 = arith.constant 0 : index
    %get3A_23 = arith.constant 0 : index
    %get3A_24 = vector.load %arg6[%get3A_22, %get3A_23] : memref<1x768xf32, #tpu.memory_space<vmem>>, vector<1x768xf32>
    %add3A = vector.broadcast %get3A_24 : vector<1x768xf32> to vector<512x768xf32>
    %add3A_25 = arith.addf %dot_general3A_21, %add3A : vector<512x768xf32>
    %bitcast_convert_type3A = tpu.bitcast %add3A_25 : vector<512x768xf32> -> vector<512x768xi32>
    %add3A_26 = arith.constant 32767 : i32
    %add3A_27 = vector.broadcast %add3A_26 : i32 to vector<512x768xi32>
    %add3A_28 = arith.addi %bitcast_convert_type3A, %add3A_27 : vector<512x768xi32>
    %shift_right_logical3A = arith.constant 16 : i32
    %shift_right_logical3A_29 = vector.broadcast %shift_right_logical3A : i32 to vector<512x768xi32>
    %shift_right_logical3A_30 = arith.shrui %bitcast_convert_type3A, %shift_right_logical3A_29 : vector<512x768xi32>
    %and3A = arith.constant 1 : i32
    %and3A_31 = vector.broadcast %and3A : i32 to vector<512x768xi32>
    %and3A_32 = arith.andi %shift_right_logical3A_30, %and3A_31 : vector<512x768xi32>
    %add3A_33 = arith.addi %add3A_28, %and3A_32 : vector<512x768xi32>
    %slice3A = vector.extract_strided_slice %add3A_33 {offsets = [0, 0], sizes = [512, 384], strides = [1, 1]} : vector<512x768xi32> to vector<512x384xi32>
    %shift_right_logical3A_34 = arith.constant 16 : i32
    %shift_right_logical3A_35 = vector.broadcast %shift_right_logical3A_34 : i32 to vector<512x384xi32>
    %shift_right_logical3A_36 = arith.shrui %slice3A, %shift_right_logical3A_35 : vector<512x384xi32>
    %slice3A_37 = vector.extract_strided_slice %add3A_33 {offsets = [0, 384], sizes = [512, 384], strides = [1, 1]} : vector<512x768xi32> to vector<512x384xi32>
    %and3A_38 = arith.constant -65536 : i32
    %and3A_39 = vector.broadcast %and3A_38 : i32 to vector<512x384xi32>
    %and3A_40 = arith.andi %slice3A_37, %and3A_39 : vector<512x384xi32>
    %or3A = arith.ori %and3A_40, %shift_right_logical3A_36 : vector<512x384xi32>
    %swap3A_41 = arith.constant 0 : index
    %swap3A_42 = arith.constant 0 : index
    %swap3A_43 = vector.load %arg8[%swap3A_41, %swap3A_42] : memref<512x384xi32, #tpu.memory_space<vmem>>, vector<512x384xi32>
    tpu.vector_store %arg8[%swap3A_41, %swap3A_42], %or3A {strides = array<i32>} : memref<512x384xi32, #tpu.memory_space<vmem>>, vector<512x384xi32>,
    return
  }
  func.func @transform_0(%arg0: i32) -> (i32, i32) {
    %c0_i32 = arith.constant 0 : i32
    %c0_i32_0 = arith.constant 0 : i32
    %c0_i32_1 = arith.constant 0 : i32
    return %c0_i32, %c0_i32_0 : i32, i32
  }
  func.func @transform_1(%arg0: i32) -> (i32, i32) {
    %c0_i32 = arith.constant 0 : i32
    %c0_i32_0 = arith.constant 0 : i32
    %c0_i32_1 = arith.constant 0 : i32
    return %c0_i32, %c0_i32_0 : i32, i32
  }
  func.func @transform_2(%arg0: i32) -> (i32, i32) {
    %c0_i32 = arith.constant 0 : i32
    %c0_i32_0 = arith.constant 0 : i32
    %c0_i32_1 = arith.constant 0 : i32
    return %c0_i32, %c0_i32_0 : i32, i32
  }
  func.func @transform_3(%arg0: i32) -> (i32, i32) {
    %c0_i32 = arith.constant 0 : i32
    %c1_i32 = arith.constant 1 : i32
    %c0_i32_0 = arith.constant 0 : i32
    return %c0_i32, %c1_i32 : i32, i32
  }
  func.func @transform_4(%arg0: i32) -> (i32, i32) {
    %c0_i32 = arith.constant 0 : i32
    %c2_i32 = arith.constant 2 : i32
    %c0_i32_0 = arith.constant 0 : i32
    return %c0_i32, %c2_i32 : i32, i32
  }
  func.func @transform_5(%arg0: i32) -> (i32, i32) {
    %c0_i32 = arith.constant 0 : i32
    %c0_i32_0 = arith.constant 0 : i32
    %c0_i32_1 = arith.constant 0 : i32
    return %c0_i32, %c0_i32_0 : i32, i32
  }
  func.func @transform_6(%arg0: i32) -> (i32, i32) {
    %c0_i32 = arith.constant 0 : i32
    %c0_i32_0 = arith.constant 0 : i32
    %c0_i32_1 = arith.constant 0 : i32
    return %c0_i32, %c0_i32_0 : i32, i32
  }
  func.func @transform_7(%arg0: i32) -> (i32, i32) {
    %c0_i32 = arith.constant 0 : i32
    %c0_i32_0 = arith.constant 0 : i32
    %c0_i32_1 = arith.constant 0 : i32
    return %c0_i32, %c0_i32_0 : i32, i32
  }
  func.func @transform_8(%arg0: i32) -> (i32, i32) {
    %c0_i32 = arith.constant 0 : i32
    %c0_i32_0 = arith.constant 0 : i32
    %c0_i32_1 = arith.constant 0 : i32
    return %c0_i32, %c0_i32_0 : i32, i32
  }
}

module attributes {stable_mosaic.version = 14 : i64} {
  func.func @_edge_body(%arg0: memref<128x128xi32, #tpu.memory_space<vmem>>, %arg1: memref<128x128xi32, #tpu.memory_space<vmem>>, %arg2: memref<128x128xi32, #tpu.memory_space<vmem>>, %arg3: memref<2x128x160xi32, #tpu.memory_space<vmem>>, %arg4: memref<128x160xi32, #tpu.memory_space<vmem>>, %arg5: memref<128x64xi32, #tpu.memory_space<vmem>>) attributes {dimension_semantics = [], scalar_prefetch = 0 : i64, scratch_operands = 0 : i64, tpu.core_type = #tpu.core_type<tc>} {
    %iota3A = tpu.iota {dimensions = array<i32: 0>} : vector<128x128xi32>
    %mul3A = arith.constant 64 : i32
    %mul3A_0 = vector.broadcast %mul3A : i32 to vector<128x128xi32>
    %mul3A_1 = arith.muli %iota3A, %mul3A_0 : vector<128x128xi32>
    %get3A = arith.constant 0 : index
    %get3A_2 = arith.constant 0 : index
    %get3A_3 = vector.load %arg0[%get3A, %get3A_2] : memref<128x128xi32, #tpu.memory_space<vmem>>, vector<128x128xi32>
    %add3A = arith.addi %get3A_3, %mul3A_1 : vector<128x128xi32>
    %get3A_4 = arith.constant 0 : index
    %get3A_5 = arith.constant 0 : index
    %get3A_6 = vector.load %arg1[%get3A_4, %get3A_5] : memref<128x128xi32, #tpu.memory_space<vmem>>, vector<128x128xi32>
    %add3A_7 = arith.addi %get3A_6, %mul3A_1 : vector<128x128xi32>
    %iota3A_8 = tpu.iota {dimensions = array<i32: 1>} : vector<128x32xi32>
    %mul3A_9 = arith.constant 2 : i32
    %mul3A_10 = vector.broadcast %mul3A_9 : i32 to vector<128x32xi32>
    %mul3A_11 = arith.muli %iota3A_8, %mul3A_10 : vector<128x32xi32>
    %iota3A_12 = tpu.iota {dimensions = array<i32: 0>} : vector<128x32xi32>
    %mul3A_13 = arith.constant 64 : i32
    %mul3A_14 = vector.broadcast %mul3A_13 : i32 to vector<128x32xi32>
    %mul3A_15 = arith.muli %iota3A_12, %mul3A_14 : vector<128x32xi32>
    %add3A_16 = arith.addi %mul3A_11, %mul3A_15 : vector<128x32xi32>
    %add3A_17 = arith.constant 1 : i32
    %add3A_18 = vector.broadcast %add3A_17 : i32 to vector<128x32xi32>
    %add3A_19 = arith.addi %add3A_16, %add3A_18 : vector<128x32xi32>
    %mul3A_20 = arith.constant 65536 : i32
    %mul3A_21 = vector.broadcast %mul3A_20 : i32 to vector<128x32xi32>
    %mul3A_22 = arith.muli %add3A_19, %mul3A_21 : vector<128x32xi32>
    %add3A_23 = arith.addi %add3A_16, %mul3A_22 : vector<128x32xi32>
    %mul3A_24 = arith.constant 65536 : i32
    %mul3A_25 = vector.broadcast %mul3A_24 : i32 to vector<128x128xi32>
    %mul3A_26 = arith.muli %add3A_7, %mul3A_25 : vector<128x128xi32>
    %add3A_27 = arith.addi %add3A, %mul3A_26 : vector<128x128xi32>
    %concatenate3A = tpu.concatenate %add3A_27, %add3A_23 in 1 : vector<128x128xi32>, vector<128x32xi32> -> vector<128x160xi32>
    %swap3A = arith.constant 0 : index
    %swap3A_28 = arith.constant 0 : index
    %swap3A_29 = arith.constant 0 : index
    %swap3A_30 = vector.load %arg3[%swap3A, %swap3A_28, %swap3A_29] : memref<2x128x160xi32, #tpu.memory_space<vmem>>, vector<1x128x160xi32>
    %swap3A_31 = vector.shape_cast %swap3A_30 : vector<1x128x160xi32> to vector<128x160xi32>
    %swap3A_32 = vector.shape_cast %concatenate3A : vector<128x160xi32> to vector<1x128x160xi32>
    tpu.vector_store %arg3[%swap3A, %swap3A_28, %swap3A_29], %swap3A_32 {strides = array<i32>} : memref<2x128x160xi32, #tpu.memory_space<vmem>>, vector<1x128x160xi32>,
    %mul3A_33 = arith.constant 65536 : i32
    %mul3A_34 = vector.broadcast %mul3A_33 : i32 to vector<128x128xi32>
    %mul3A_35 = arith.muli %add3A, %mul3A_34 : vector<128x128xi32>
    %add3A_36 = arith.addi %add3A_7, %mul3A_35 : vector<128x128xi32>
    %concatenate3A_37 = tpu.concatenate %add3A_36, %add3A_23 in 1 : vector<128x128xi32>, vector<128x32xi32> -> vector<128x160xi32>
    %swap3A_38 = arith.constant 1 : index
    %swap3A_39 = arith.constant 0 : index
    %swap3A_40 = arith.constant 0 : index
    %swap3A_41 = vector.load %arg3[%swap3A_38, %swap3A_39, %swap3A_40] : memref<2x128x160xi32, #tpu.memory_space<vmem>>, vector<1x128x160xi32>
    %swap3A_42 = vector.shape_cast %swap3A_41 : vector<1x128x160xi32> to vector<128x160xi32>
    %swap3A_43 = vector.shape_cast %concatenate3A_37 : vector<128x160xi32> to vector<1x128x160xi32>
    tpu.vector_store %arg3[%swap3A_38, %swap3A_39, %swap3A_40], %swap3A_43 {strides = array<i32>} : memref<2x128x160xi32, #tpu.memory_space<vmem>>, vector<1x128x160xi32>,
    %get3A_44 = arith.constant 0 : index
    %get3A_45 = arith.constant 0 : index
    %get3A_46 = vector.load %arg2[%get3A_44, %get3A_45] : memref<128x128xi32, #tpu.memory_space<vmem>>, vector<128x128xi32>
    %mul3A_47 = arith.constant 65536 : i32
    %mul3A_48 = vector.broadcast %mul3A_47 : i32 to vector<128x128xi32>
    %mul3A_49 = arith.muli %get3A_46, %mul3A_48 : vector<128x128xi32>
    %add3A_50 = arith.addi %get3A_46, %mul3A_49 : vector<128x128xi32>
    %broadcast_in_dim3A = arith.constant 0 : i32
    %broadcast_in_dim3A_51 = vector.broadcast %broadcast_in_dim3A : i32 to vector<128x32xi32>
    %concatenate3A_52 = tpu.concatenate %add3A_50, %broadcast_in_dim3A_51 in 1 : vector<128x128xi32>, vector<128x32xi32> -> vector<128x160xi32>
    %swap3A_53 = arith.constant 0 : index
    %swap3A_54 = arith.constant 0 : index
    %swap3A_55 = vector.load %arg4[%swap3A_53, %swap3A_54] : memref<128x160xi32, #tpu.memory_space<vmem>>, vector<128x160xi32>
    tpu.vector_store %arg4[%swap3A_53, %swap3A_54], %concatenate3A_52 {strides = array<i32>} : memref<128x160xi32, #tpu.memory_space<vmem>>, vector<128x160xi32>,
    %iota3A_56 = tpu.iota {dimensions = array<i32: 0>} : vector<128x64xi32>
    %swap3A_57 = arith.constant 0 : index
    %swap3A_58 = arith.constant 0 : index
    %swap3A_59 = vector.load %arg5[%swap3A_57, %swap3A_58] : memref<128x64xi32, #tpu.memory_space<vmem>>, vector<128x64xi32>
    tpu.vector_store %arg5[%swap3A_57, %swap3A_58], %iota3A_56 {strides = array<i32>} : memref<128x64xi32, #tpu.memory_space<vmem>>, vector<128x64xi32>,
    return
  }
}

module attributes {stable_mosaic.version = 14 : i64} {
  func.func @_main_body(%arg0: i32, %arg1: memref<1024x768xf32, #tpu.memory_space<vmem>>, %arg2: memref<1024x384xi32, #tpu.memory_space<vmem>>, %arg3: memref<1024x16xf32, #tpu.memory_space<vmem>>, %arg4: memref<768x768xbf16, #tpu.memory_space<vmem>>, %arg5: memref<16x768xf32, #tpu.memory_space<vmem>>, %arg6: memref<1x768xf32, #tpu.memory_space<vmem>>, %arg7: memref<1x768xf32, #tpu.memory_space<vmem>>, %arg8: memref<1024x768xf32, #tpu.memory_space<vmem>>) attributes {dimension_semantics = [#tpu.dimension_semantics<parallel>], iteration_bounds = array<i64: 8>, scalar_prefetch = 0 : i64, scratch_operands = 0 : i64, tpu.core_type = #tpu.core_type<tc>, window_params = [{transform_indices = @transform_0, window_bounds = array<i64: 1024, 768>}, {transform_indices = @transform_1, window_bounds = array<i64: 1024, 384>}, {transform_indices = @transform_2, window_bounds = array<i64: 1024, 16>}, {pipeline_mode = #tpu.pipeline_mode<synchronous>, transform_indices = @transform_3, window_bounds = array<i64: 768, 768>}, {pipeline_mode = #tpu.pipeline_mode<synchronous>, transform_indices = @transform_4, window_bounds = array<i64: 16, 768>}, {pipeline_mode = #tpu.pipeline_mode<synchronous>, transform_indices = @transform_5, window_bounds = array<i64: 1, 768>}, {pipeline_mode = #tpu.pipeline_mode<synchronous>, transform_indices = @transform_6, window_bounds = array<i64: 1, 768>}, {transform_indices = @transform_7, window_bounds = array<i64: 1024, 768>}]} {
    %get3A = arith.constant 0 : index
    %get3A_0 = arith.constant 0 : index
    %get3A_1 = vector.load %arg1[%get3A, %get3A_0] : memref<1024x768xf32, #tpu.memory_space<vmem>>, vector<1024x768xf32>
    %convert_element_type3A = arith.truncf %get3A_1 : vector<1024x768xf32> to vector<1024x768xbf16>
    %get3A_2 = arith.constant 0 : index
    %get3A_3 = arith.constant 0 : index
    %get3A_4 = vector.load %arg4[%get3A_2, %get3A_3] : memref<768x768xbf16, #tpu.memory_space<vmem>>, vector<768x768xbf16>
    %dot_general3A = arith.constant dense<0.000000e+00> : vector<1024x768xf32>
    %dot_general3A_5 = tpu.matmul %convert_element_type3A, %get3A_4, %dot_general3A {dimension_numbers = #tpu.dot_dimension_numbers<[1], [1], [0], [0], [0, 0, 1, 0], [], []>, transpose_lhs_hint = false} : vector<1024x768xbf16>, vector<768x768xbf16>, vector<1024x768xf32> -> vector<1024x768xf32>
    %get3A_6 = arith.constant 0 : index
    %get3A_7 = arith.constant 0 : index
    %get3A_8 = vector.load %arg3[%get3A_6, %get3A_7] : memref<1024x16xf32, #tpu.memory_space<vmem>>, vector<1024x16xf32>
    %get3A_9 = arith.constant 0 : index
    %get3A_10 = arith.constant 0 : index
    %get3A_11 = vector.load %arg5[%get3A_9, %get3A_10] : memref<16x768xf32, #tpu.memory_space<vmem>>, vector<16x768xf32>
    %dot_general3A_12 = arith.constant dense<0.000000e+00> : vector<1024x768xf32>
    %dot_general3A_13 = tpu.matmul %get3A_8, %get3A_11, %dot_general3A_12 {dimension_numbers = #tpu.dot_dimension_numbers<[1], [0], [0], [1], [0, 0, 1, 1], [], []>, transpose_lhs_hint = false} : vector<1024x16xf32>, vector<16x768xf32>, vector<1024x768xf32> -> vector<1024x768xf32>
    %add3A = arith.addf %dot_general3A_5, %dot_general3A_13 : vector<1024x768xf32>
    %get3A_14 = arith.constant 0 : index
    %get3A_15 = arith.constant 0 : index
    %get3A_16 = vector.load %arg2[%get3A_14, %get3A_15] : memref<1024x384xi32, #tpu.memory_space<vmem>>, vector<1024x384xi32>
    %shift_left3A = arith.constant 16 : i32
    %shift_left3A_17 = vector.broadcast %shift_left3A : i32 to vector<1024x384xi32>
    %shift_left3A_18 = arith.shli %get3A_16, %shift_left3A_17 : vector<1024x384xi32>
    %bitcast_convert_type3A = tpu.bitcast %shift_left3A_18 : vector<1024x384xi32> -> vector<1024x384xf32>
    %and3A = arith.constant -65536 : i32
    %and3A_19 = vector.broadcast %and3A : i32 to vector<1024x384xi32>
    %and3A_20 = arith.andi %get3A_16, %and3A_19 : vector<1024x384xi32>
    %bitcast_convert_type3A_21 = tpu.bitcast %and3A_20 : vector<1024x384xi32> -> vector<1024x384xf32>
    %concatenate3A = tpu.concatenate %bitcast_convert_type3A, %bitcast_convert_type3A_21 in 1 : vector<1024x384xf32>, vector<1024x384xf32> -> vector<1024x768xf32>
    %add3A_22 = arith.addf %add3A, %concatenate3A : vector<1024x768xf32>
    %reduce_sum3A = arith.constant dense<0.000000e+00> : vector<1024xf32>
    %reduce_sum3A_23 = vector.multi_reduction <add>, %add3A_22, %reduce_sum3A [1] : vector<1024x768xf32> to vector<1024xf32>
    %broadcast_in_dim3A = vector.shape_cast %reduce_sum3A_23 : vector<1024xf32> to vector<1024x1xf32>
    %div3A = arith.constant 7.680000e+02 : f32
    %div3A_24 = vector.broadcast %div3A : f32 to vector<1024x1xf32>
    %div3A_25 = arith.divf %broadcast_in_dim3A, %div3A_24 : vector<1024x1xf32>
    %sub3A = vector.broadcast %div3A_25 : vector<1024x1xf32> to vector<1024x768xf32>
    %sub3A_26 = arith.subf %add3A_22, %sub3A : vector<1024x768xf32>
    %mul3A = arith.mulf %sub3A_26, %sub3A_26 : vector<1024x768xf32>
    %reduce_sum3A_27 = arith.constant dense<0.000000e+00> : vector<1024xf32>
    %reduce_sum3A_28 = vector.multi_reduction <add>, %mul3A, %reduce_sum3A_27 [1] : vector<1024x768xf32> to vector<1024xf32>
    %broadcast_in_dim3A_29 = vector.shape_cast %reduce_sum3A_28 : vector<1024xf32> to vector<1024x1xf32>
    %div3A_30 = arith.constant 7.680000e+02 : f32
    %div3A_31 = vector.broadcast %div3A_30 : f32 to vector<1024x1xf32>
    %div3A_32 = arith.divf %broadcast_in_dim3A_29, %div3A_31 : vector<1024x1xf32>
    %add3A_33 = arith.constant 9.99999974E-6 : f32
    %add3A_34 = vector.broadcast %add3A_33 : f32 to vector<1024x1xf32>
    %add3A_35 = arith.addf %div3A_32, %add3A_34 : vector<1024x1xf32>
    %rsqrt3A = math.rsqrt %add3A_35 : vector<1024x1xf32>
    %mul3A_36 = vector.broadcast %rsqrt3A : vector<1024x1xf32> to vector<1024x768xf32>
    %mul3A_37 = arith.mulf %sub3A_26, %mul3A_36 : vector<1024x768xf32>
    %get3A_38 = arith.constant 0 : index
    %get3A_39 = arith.constant 0 : index
    %get3A_40 = vector.load %arg6[%get3A_38, %get3A_39] : memref<1x768xf32, #tpu.memory_space<vmem>>, vector<1x768xf32>
    %mul3A_41 = vector.broadcast %get3A_40 : vector<1x768xf32> to vector<1024x768xf32>
    %mul3A_42 = arith.mulf %mul3A_37, %mul3A_41 : vector<1024x768xf32>
    %get3A_43 = arith.constant 0 : index
    %get3A_44 = arith.constant 0 : index
    %get3A_45 = vector.load %arg7[%get3A_43, %get3A_44] : memref<1x768xf32, #tpu.memory_space<vmem>>, vector<1x768xf32>
    %add3A_46 = vector.broadcast %get3A_45 : vector<1x768xf32> to vector<1024x768xf32>
    %add3A_47 = arith.addf %mul3A_42, %add3A_46 : vector<1024x768xf32>
    %swap3A = arith.constant 0 : index
    %swap3A_48 = arith.constant 0 : index
    %swap3A_49 = vector.load %arg8[%swap3A, %swap3A_48] : memref<1024x768xf32, #tpu.memory_space<vmem>>, vector<1024x768xf32>
    tpu.vector_store %arg8[%swap3A, %swap3A_48], %add3A_47 {strides = array<i32>} : memref<1024x768xf32, #tpu.memory_space<vmem>>, vector<1024x768xf32>,
    return
  }
  func.func @transform_0(%arg0: i32) -> (i32, i32) {
    %c0_i32 = arith.constant 0 : i32
    %c0_i32_0 = arith.constant 0 : i32
    return %arg0, %c0_i32 : i32, i32
  }
  func.func @transform_1(%arg0: i32) -> (i32, i32) {
    %c0_i32 = arith.constant 0 : i32
    %c0_i32_0 = arith.constant 0 : i32
    return %arg0, %c0_i32 : i32, i32
  }
  func.func @transform_2(%arg0: i32) -> (i32, i32) {
    %c0_i32 = arith.constant 0 : i32
    %c0_i32_0 = arith.constant 0 : i32
    return %arg0, %c0_i32 : i32, i32
  }
  func.func @transform_3(%arg0: i32) -> (i32, i32) {
    %c0_i32 = arith.constant 0 : i32
    %c0_i32_0 = arith.constant 0 : i32
    %c0_i32_1 = arith.constant 0 : i32
    return %c0_i32, %c0_i32_0 : i32, i32
  }
  func.func @transform_4(%arg0: i32) -> (i32, i32) {
    %c0_i32 = arith.constant 0 : i32
    %c0_i32_0 = arith.constant 0 : i32
    %c0_i32_1 = arith.constant 0 : i32
    return %c0_i32, %c0_i32_0 : i32, i32
  }
  func.func @transform_5(%arg0: i32) -> (i32, i32) {
    %c0_i32 = arith.constant 0 : i32
    %c0_i32_0 = arith.constant 0 : i32
    %c0_i32_1 = arith.constant 0 : i32
    return %c0_i32, %c0_i32_0 : i32, i32
  }
  func.func @transform_6(%arg0: i32) -> (i32, i32) {
    %c0_i32 = arith.constant 0 : i32
    %c0_i32_0 = arith.constant 0 : i32
    %c0_i32_1 = arith.constant 0 : i32
    return %c0_i32, %c0_i32_0 : i32, i32
  }
  func.func @transform_7(%arg0: i32) -> (i32, i32) {
    %c0_i32 = arith.constant 0 : i32
    %c0_i32_0 = arith.constant 0 : i32
    return %arg0, %c0_i32 : i32, i32
  }
}

</mosaic_0001>

<sc_bundles>
// kernel: kernel.6.cloned.1.call-start
scs
__scs_entry_jumppad:
0x0: {  	(pc) =	sbr.rel $0x88, $3  }
0x1: {  	(tag) =	ssettag $0x0;
	lr =	simm.s32 $0x1  }
0x2: {  	[smem:$0x3F95] =	sst lr;
	_ =	strace $0xD0000000  }
0x3: {  	_ = 	snop  }
0x4: {  	_ = 	snop  }
0x5: {  	_ = 	snop  }
0x6: {  	_ = 	snop  }
0x7: {  	_ = 	snop  }
__scs_overlays_trampoline_lowered:
0x8: {  	[smem:$0x3FA4] =	sst s0  }
0x9: {  	[smem:$0x3FA5] =	sst s1  }
0xa: {  	[smem:$0x3FA6] =	sst s2  }
0xb: {  	[smem:$0x3FA7] =	sst s3  }
0xc: {  	[smem:$0x3FA8] =	sst s4  }
0xd: {  	[smem:$0x3FA9] =	sst s5  }
0xe: {  	[smem:$0x3FAA] =	sst s6  }
0xf: {  	[smem:$0x3FAB] =	sst s7  }
0x10: {  	[smem:$0x3FAC] =	sst s8  }
0x11: {  	[smem:$0x3FAD] =	sst s9;
	s0 =	simm.s32 @!p0 $0x0  }
0x12: {  	s1 =	sld [smem:$0x3F93];
	s0 =	simm.s32 @p0 $0x1  }
0x13: {  	[smem:$0x3FAE] =	sst s0;
	s0 =	simm.s32 @!p1 $0x0  }
0x14: {  	s2 =	sld [smem:$0x3F92];
	s0 =	simm.s32 @p1 $0x1  }
0x15: {  	[smem:$0x3FAF] =	sst s0;
	s0 =	simm.s32 @!p2 $0x0  }
0x16: {  	s3 =	sld [smem:$0x3FDB];
	s0 =	simm.s32 @p2 $0x1  }
0x17: {  	s4 =	simm.s32 $0x1BF5;
	[smem:$0x3FB1] =	sst s0  }
0x18: {  	s0 =	sld [smem:$0x3F94];
	_ =	swait.ge [sflag:s4], $0x0  }
0x19: {  	s7 =	sld [smem:$0x3F95]  }
0x1a: {  	s8 =	sadd.s32 $0xFFFFE003, lr  }
0x1b: {  	s9 =	sadd.s32 $0xFFFFFEF7, lr;
	s5 =	simm.s32 $0xFFFFFFFF;
	p2 =	slt.u32 s8, $0xFFFFF086  }
0x1c: {  	p1 =	slt.u32 s9, $0xF7A;
	s5 =	simm.s32 @!p2 $0x0  }
0x1d: {  	s5 =	simm.s32 @p1 $0x1;
	p0 =	seq.s32 s7, s2  }
0x1e: {  	s7 =	smul.u32 @!p0 $0xF7A, s2;
	p2 =	seq.s32 @!p0 s5, $0x0  }
0x1f: {  	s9 =	smul.u32 $0xF7A, s1;
	s8 =	simm.s32 @!p0 $0x1BF5;
	p2 =	por !p2, p0  }
0x20: {  	[sflag:s8] =	ssyncset.s32 @!p0 $0xFFFFF086;
	s6 =	sadd.s32 @!p0 s3, s7;
	s7 =	simm.s32 @!p0 $0x108  }
0x21: {  	s3 =	sadd.s32 s3, s9;
	s6 =	sadd.s32 @!p0 $0x88, s6;
	s7 =	simm.s32 @p2 $0x1082  }
0x22: {  	[simem:s7], [sflag:s8] =	dma.local @!p0 [hbm:s6], $0xF7A  }
0x23: {  	s9 =	sor.u32 $0xD0000000, s2;
	s6 =	simm.s32 $0x108;
	_ =	swait.ge @!p0 [sflag:s8], $0x0  }
0x24: {  	s3 =	sadd.s32 $0x88, s3;
	s6 =	simm.s32 @!p1 $0x1082;
	[sflag:s4] =	ssyncset.s32 $0xFFFFF086  }
0x25: {  	[simem:s6], [sflag:s4] =	dma.local [hbm:s3], $0xF7A  }
0x26: {  	[smem:$0x3F95] =	sst s1;
	(tag) =	ssettag s2;
	_ =	strace s9  }
0x27: {  	s1 =	sld [smem:$0x3FA5]  }
0x28: {  	s2 =	sld [smem:$0x3FA6]  }
0x29: {  	s4 =	sld [smem:$0x3FA8]  }
0x2a: {  	p0 =	seq.s32 s5, $0x0;
	s5 =	sld [smem:$0x3FA9]  }
0x2b: {  	s6 =	sld [smem:$0x3FAA]  }
0x2c: {  	s7 =	sld [smem:$0x3FAB]  }
0x2d: {  	s3 =	simm.s32 $0x108;
	s8 =	sld [smem:$0x3FAC]  }
0x2e: {  	s3 =	simm.s32 @!p0 $0x1082;
	s9 =	sld [smem:$0x3FAD]  }
0x2f: {  	lr =	sadd.s32 s0, s3;
	s0 =	sld [smem:$0x3FA4]  }
0x30: {  	s3 =	sld [smem:$0x3FA7]  }
0x31: {  	[smem:$0x3FB0] =	sst s10  }
0x32: {  	s10 =	sld [smem:$0x3FAE];
	_ =	sdelay $0x3  }
0x33: {  	p0 =	seq.s32 s10, $0x1;
	s10 =	sld [smem:$0x3FB0];
	_ =	sdelay $0x3  }
0x34: {  	[smem:$0x3FB0] =	sst s10  }
0x35: {  	s10 =	sld [smem:$0x3FAF];
	_ =	sdelay $0x3  }
0x36: {  	p1 =	seq.s32 s10, $0x1;
	s10 =	sld [smem:$0x3FB0];
	_ =	sdelay $0x3  }
0x37: {  	[smem:$0x3FB0] =	sst s10  }
0x38: {  	s10 =	sld [smem:$0x3FB1]  }
0x39: {  	_ = 	snop;
	(pc) =	sbr.ind lr, $3  }
0x3a: {  	_ = 	snop  }
0x3b: {  	_ = 	snop  }
0x3c: {  	p2 =	seq.s32 s10, $0x1;
	s10 =	sld [smem:$0x3FB0]  }
0x3d: {  	_ =	shalt  }
0x3e: {  	_ =	shalt  }
0x3f: {  	_ =	shalt  }
0x40: {  	_ =	shalt  }
0x41: {  	_ =	shalt  }
0x42: {  	_ =	shalt  }
0x43: {  	_ =	shalt  }
0x44: {  	_ =	shalt  }
0x45: {  	_ =	shalt  }
0x46: {  	_ =	shalt  }
0x47: {  	_ =	shalt  }
0x48: {  	_ =	shalt  }
0x49: {  	_ =	shalt  }
0x4a: {  	_ =	shalt  }
0x4b: {  	_ =	shalt  }
0x4c: {  	_ =	shalt  }
0x4d: {  	_ =	shalt  }
0x4e: {  	_ =	shalt  }
0x4f: {  	_ =	shalt  }
0x50: {  	_ =	shalt  }
0x51: {  	_ =	shalt  }
0x52: {  	_ =	shalt  }
0x53: {  	_ =	shalt  }
0x54: {  	_ =	shalt  }
0x55: {  	_ =	shalt  }
0x56: {  	_ =	shalt  }
0x57: {  	_ =	shalt  }
0x58: {  	_ =	shalt  }
0x59: {  	_ =	shalt  }
0x5a: {  	_ =	shalt  }
0x5b: {  	_ =	shalt  }
0x5c: {  	_ =	shalt  }
0x5d: {  	_ =	shalt  }
0x5e: {  	_ =	shalt  }
0x5f: {  	_ =	shalt  }
0x60: {  	_ =	shalt  }
0x61: {  	_ =	shalt  }
0x62: {  	_ =	shalt  }
0x63: {  	_ =	shalt  }
0x64: {  	_ =	shalt  }
0x65: {  	_ =	shalt  }
0x66: {  	_ =	shalt  }
0x67: {  	_ =	shalt  }
0x68: {  	_ =	shalt  }
0x69: {  	_ =	shalt  }
0x6a: {  	_ =	shalt  }
0x6b: {  	_ =	shalt  }
0x6c: {  	_ =	shalt  }
0x6d: {  	_ =	shalt  }
0x6e: {  	_ =	shalt  }
0x6f: {  	_ =	shalt  }
0x70: {  	_ =	shalt  }
0x71: {  	_ =	shalt  }
0x72: {  	_ =	shalt  }
0x73: {  	_ =	shalt  }
0x74: {  	_ =	shalt  }
0x75: {  	_ =	shalt  }
0x76: {  	_ =	shalt  }
0x77: {  	_ =	shalt  }
0x78: {  	_ =	shalt  }
0x79: {  	_ =	shalt  }
0x7a: {  	_ =	shalt  }
0x7b: {  	_ =	shalt  }
0x7c: {  	_ =	shalt  }
0x7d: {  	_ =	shalt  }
0x7e: {  	_ =	shalt  }
0x7f: {  	_ =	shalt  }
0x80: {  	_ =	shalt  }
0x81: {  	_ =	shalt  }
0x82: {  	_ =	shalt  }
0x83: {  	_ =	shalt  }
0x84: {  	_ =	shalt  }
0x85: {  	_ =	shalt  }
0x86: {  	_ =	shalt  }
0x87: {  	_ =	shalt  }
.Lfunc_end0:
.L_simem_size_0:
called_computation_lowered:
.L_overlay_start_0:
0x88: {  	s2 =	sld [smem:$0x3FD9]  }
0x89: {  	s3 =	sld [smem:$0x3FFE];
	_ =	sdelay $0x1  }
0x8a: {  	s1 =	srdreg.scid  }
0x8b: {  	s0 =	sand.u32 $0x1, s1  }
0x8c: {  	s14 =	sshll.u32 s0, $0xA;
	s2 =	sadd.s32 s3, s2  }
0x8d: {  	s2 =	sadd.s32 s2, s14  }
0x8e: {  	[smem:$0x3FBC] =	sst s2  }
0x8f: {  	_ = 	snop  }
0x90: {  	s2 =	sld [smem:$0x3FD0];
	_ =	sdelay $0x2  }
0x91: {  	s15 =	simm.s32 $0xA;
	s4 =	simm.s32 $0x10  }
0x92: {  	[smem:s4], [sflag:s15] =	dma.local [hbm:s2], $0x1  }
0x93: {  	_ =	swait.eq [sflag:s15], $0x1  }
0x94: {  	[sflag:s15] =	ssyncset.done $0x0  }
0x95: {  	[sflag:s15] =	ssyncadd.s32 $0xFFFFFFFF  }
0x96: {  	s16 =	sld [smem:$0x10];
	(tm) =	ssettm $0x1  }
0x97: {  	s17 =	sld [smem:$0x3FFB];
	_ =	sdelay $0x3  }
0x98: {  	_ =	strace s17  }
0x99: {  	s3 =	sld [smem:$0x3FFC];
	_ =	sdelay $0x3  }
0x9a: {  	_ =	strace s3  }
0x9b: {  	s3 =	sld [smem:$0x3FFD];
	_ =	sdelay $0x3  }
0x9c: {  	_ =	strace s3  }
0x9d: {  	_ =	strace $0x8FFFFFFF  }
0x9e: {  	s18 =	sld [smem:$0x3FDB];
	_ =	sdelay $0x1  }
0x9f: {  	s19 =	simm.s32 $_scs_section_size  }
0xa0: {  	s5 =	simm.s32 $_size__tile_overlayer_lowered;
	s6 =	simm.s32 $_tile_overlayer_lowered  }
0xa1: {  	s22 =	simm.s32 $0x1BFF;
	s21 =	sshll.u32 s6, $0x1;
	s3 =	sadd.s32 s19, s18  }
0xa2: {  	s7 =	simm.s32 $0x0;
	s20 =	sshll.u32 s5, $0x1;
	s5 =	sadd.s32 s21, s3  }
0xa3: {  	[timem:s7], [sflag:s22] =	dma.local [hbm:s5], s20  }
0xa4: {  	_ =	swait.ge [sflag:s22], s20  }
0xa5: {  	s4 =	ssub.s32 $0x0, s20;
	[sflag:s22] =	ssyncset.done $0x0  }
0xa6: {  	[sflag:s22] =	ssyncadd.s32 s4;
	_ =	sdelay $0x1  }
0xa7: {  	s23 =	simm.s32 $0x1B8B  }
0xa8: {  	_ =	swait.ge [sflag:s23], $0x1  }
0xa9: {  	[sflag:s23] =	ssyncset.done $0x0  }
0xaa: {  	s25 =	simm.s32 $0x1B8E;
	s24 =	sld [smem:$0x3FFE];
	[sflag:s23] =	ssyncadd.s32 $0xFFFFFFFF  }
0xab: {  	s26 =	simm.s32 $execute0_lowered;
	[smem:$0x3FD2] =	sst s25  }
0xac: {  	s5 =	sshll.u32 s26, $0x1;
	_ =	strace $0x80000046;
	[dreg:$0x1] =	wrdreg $0xFFFFFFFF  }
0xad: {  	s28 =	simm.s32 $_size_execute0_lowered;
	s3 =	sadd.s32 s3, s5;
	[dreg:$0x0] =	wrdreg $0x0  }
0xae: {  	s5 =	sshll.u32 s28, $0x1;
	[dreg:$0x2] =	wrdreg s3  }
0xaf: {  	[dreg:$0x3] =	wrdreg s5  }
0xb0: {  	[dreg:$0x4] =	wrdreg $0xC0  }
0xb1: {  	_ =	task [dreg:s7], $0x5FFFF  }
0xb2: {  	[dreg:$0x1] =	wrdreg $0xFFFFFFFF  }
0xb3: {  	[dreg:$0x0] =	wrdreg $0x60  }
0xb4: {  	[dreg:$0x2] =	wrdreg s24  }
0xb5: {  	[dreg:$0x3] =	wrdreg s16  }
0xb6: {  	[dreg:$0x4] =	wrdreg $0x9  }
0xb7: {  	_ =	task.clear_ibuf [dreg:s7], $0x5FFFF;
	_ =	strace $0x90000046  }
0xb8: {  	s29 =	simm.s32 $0x9;
	_ =	strace $0x80000048  }
0xb9: {  	_ =	swait.ge [sflag:s29], $0x1  }
0xba: {  	[sflag:s29] =	ssyncadd.s32 $0xFFFFFFFF  }
0xbb: {  	_ =	strace $0x90000048  }
0xbc: {  	_ =	sfence  }
0xbd: {  	s30 =	sld [smem:$0x0];
	_ =	sdelay $0x2  }
0xbe: {  	s31 =	sshll.u32 s1, $0xD;
	s1 =	sshrl.u32 s1, $0x2  }
0xbf: {  	s3 =	sand.u32 $0x4000, s31;
	s1 =	sadd.s32 s1, s30  }
0xc0: {  	s0 =	sor.u32 s3, s0;
	s1 =	sshll.u32 s1, $0x11  }
0xc1: {  	s0 =	sor.u32 s1, s0  }
0xc2: {  	s0 =	sadd.s32 $0x8F2B, s0  }
0xc3: {  	[sflag:s0] =	ssyncadd.remote.s32 $0x1  }
0xc4: {  	_ =	sfence.sel $0xFFFF  }
0xc5: {  	[dreg:$0x0] =	wrdreg $0xFFFFFFFF;
	(pc) =	sbr.abs _section_cstart, $3  }
0xc6: {  	[dreg:$0x1] =	wrdreg $0xFFFFFFFF  }
0xc7: {  	_ =	task.clear_ibuf [dreg:s7], $0x2FFFF;
	_ =	strace $0x9FFFFFFF  }
0xc8: {  	(tm) =	ssettm $0x7FFFFFFF  }
0xc9: {  	_ =	shalt  }
tec
execute0_lowered:
.L_overlay_start_1:
0x0: {  	(tag) =	ssettag $0x1  }
0x1: {  	s0 =	rddreg [dreg:$0x0]  }
0x2: {  	s1 =	rddreg [dreg:$0x1]  }
0x3: {  	s3 =	srdreg.scid;
	s2 =	simm.s32 $0x0;
	s5 =	stileid.u32  }
0x4: {  	s14 =	simm.s32 $0x1;
	s16 =	simm.s32 $0x880;
	s17 =	simm.s32 $0xC80  }
0x5: {  	s18 =	simm.s32 $0x1480;
	s19 =	simm.s32 $0x1880;
	s20 =	simm.s32 $0x2080  }
0x6: {  	s21 =	simm.s32 $0x2480;
	s22 =	simm.s32 $0x2C80;
	s23 =	simm.s32 $0x3080  }
0x7: {  	s28 =	simm.s32 $0x4880;
	s29 =	simm.s32 $0x5080;
	s30 =	simm.s32 $0x5480  }
0x8: {  	s31 =	simm.s32 $0x5C80;
	s10 =	simm.s32 $0x7880;
	s11 =	simm.s32 $0x8080  }
0x9: {  	s12 =	simm.s32 $0x8480;
	s13 =	simm.s32 $0x8C80;
	s4 =	sand.u32 $0x1, s3  }
0xa: {  	[smem:$0x7FF] =	sst s2;
	s5 =	sshll.u32 s5, $0x6;
	s3 =	sadd.s32 $0x2000, s0  }
0xb: {  	s24 =	sadd.s32 $0x1C00, s0;
	s6 =	sshll.u32 s4, $0x5;
	s4 =	ssub.s32 $0x2, s4  }
0xc: {  	_ =	strace $0x80000047;
	s5 =	sor.u32 s6, s5;
	s8 =	sshrl.u32 s4, $0x1  }
0xd: {  	s6 =	simm.s32 $0x2;
	s7 =	smul.u32 $0x180, s5;
	s9 =	sadd.s32 s24, s5  }
0xe: {  	s5 =	sor.u32 $0x10, s5;
	s8 =	ssub.s32 s4, s8;
	s4 =	sadd.s32 $0x2100, s0  }
0xf: {  	[dreg:$0x3] =	wrdreg s9;
	s25 =	smul.u32 $0x180, s5;
	s5 =	sadd.s32 s24, s5  }
0x10: {  	s24 =	simm.s32 $0x3880;
	s9 =	simm.s32 $0x7480;
	s7 =	sadd.s32 s1, s7  }
0x11: {  	v2 =	vlaneseq.u32;
	[dreg:$0x5] =	wrdreg s5;
	s5 =	smax.u32 s8, $0x1;
	s8 =	simm.s32 $0x6C80  }
0x12: {  	vm0 =	vmmov $0xffff;
	vm1 =	vmmov $0xff;
	v1 =	vshrl.u32 v2, $0x3;
	[dreg:$0x4] =	wrdreg s7;
	s26 =	sadd.s32 s1, s25;
	s25 =	simm.s32 $0x3C80  }
0x13: {  	v0 =	vand.u32 $0x7, v2;
	v2 =	vor.u32 $0x8, v2;
	v1 =	vmul.u32 $0x8, v1;
	s7 =	simm.s32 $0x9080;
	[dreg:$0x6] =	wrdreg s26;
	s26 =	simm.s32 $0x4480  }
.LBB2_1:
0x14: {  	s15 =	rddreg [dreg:$0x3]  }
0x15: {  	[tilespmem:s2], [sflag:$0x2] =	stream.linear.gather [hbm4b:s15+s2], $0x80, $0x38;
	[tilespmem:$0xC080] =	vst v63  }
0x16: {  	_ =	swait.ge [sflag:s6], $0x80  }
0x17: {  	[sflag:s6] =	ssyncset.done $0x0  }
0x18: {  	[sflag:s6] =	ssyncadd.s32 $0xFFFFFF80  }
0x19: {  	v3 =	vld [tilespmem:$0x0];
	_ =	sdelay $0x4  }
0x1a: {  	v4 =	vshrl.u32 v3, $0x3  }
0x1b: {  	v4 =	vmul.u32 $0x18, v4  }
0x1c: {  	v3 =	vand.u32 $0x7, v3  }
0x1d: {  	v3 =	vor.u32 v3, v4  }
0x1e: {  	v4 =	vperm.xlane v3, v0;
	_ =	sdelay $0x1  }
0x1f: {  	v4 =	vadd.s32 v1, v4;
	_ =	sdelay $0x1  }
0x20: {  	v3 =	vperm.xlane v3, v2;
	_ =	sdelay $0x1  }
0x21: {  	s0 =	simm.s32 $0x80;
	v3 =	vadd.s32 v1, v3  }
0x22: {  	[tilespmem:s0], [sflag:$0x1] =	stream.indirect_vreg.gather [hbm4b:s3+s2], $0x80, v4, vm0, $0xb8;
	[tilespmem:$0xC080] =	vst v63  }
0x23: {  	_ = 	snop  }
0x24: {  	[tilespmem:s16], [sflag:$0x1] =	stream.indirect_vreg.gather [hbm4b:s4+s2], $0x80, v4, vm1, $0xb8;
	[tilespmem:$0xC080] =	vst v63  }
0x25: {  	_ = 	snop  }
0x26: {  	[tilespmem:s17], [sflag:$0x1] =	stream.indirect_vreg.gather [hbm4b:s3+s2], $0x80, v3, vm0, $0xb8;
	[tilespmem:$0xC080] =	vst v63  }
0x27: {  	_ = 	snop  }
0x28: {  	[tilespmem:s18], [sflag:$0x1] =	stream.indirect_vreg.gather [hbm4b:s4+s2], $0x80, v3, vm1, $0xb8;
	[tilespmem:$0xC080] =	vst v63  }
0x29: {  	v3 =	vld [tilespmem:$0x10];
	_ =	sdelay $0x4  }
0x2a: {  	v49 =	vshrl.u32 v3, $0x3  }
0x2b: {  	v4 =	vmul.u32 $0x18, v49  }
0x2c: {  	v3 =	vand.u32 $0x7, v3  }
0x2d: {  	v3 =	vor.u32 v3, v4  }
0x2e: {  	v4 =	vperm.xlane v3, v0;
	_ =	sdelay $0x1  }
0x2f: {  	v4 =	vadd.s32 v1, v4;
	_ =	sdelay $0x1  }
0x30: {  	v3 =	vperm.xlane v3, v2;
	_ =	sdelay $0x1  }
0x31: {  	v3 =	vadd.s32 v1, v3  }
0x32: {  	[tilespmem:s19], [sflag:$0x1] =	stream.indirect_vreg.gather [hbm4b:s3+s2], $0x80, v4, vm0, $0xb8;
	[tilespmem:$0xC080] =	vst v63  }
0x33: {  	_ = 	snop  }
0x34: {  	[tilespmem:s20], [sflag:$0x1] =	stream.indirect_vreg.gather [hbm4b:s4+s2], $0x80, v4, vm1, $0xb8;
	[tilespmem:$0xC080] =	vst v63  }
0x35: {  	_ = 	snop  }
0x36: {  	[tilespmem:s21], [sflag:$0x1] =	stream.indirect_vreg.gather [hbm4b:s3+s2], $0x80, v3, vm0, $0xb8;
	[tilespmem:$0xC080] =	vst v63  }
0x37: {  	_ = 	snop  }
0x38: {  	[tilespmem:s22], [sflag:$0x1] =	stream.indirect_vreg.gather [hbm4b:s4+s2], $0x80, v3, vm1, $0xb8;
	[tilespmem:$0xC080] =	vst v63  }
0x39: {  	v3 =	vld [tilespmem:$0x20];
	_ =	sdelay $0x4  }
0x3a: {  	v50 =	vshrl.u32 v3, $0x3  }
0x3b: {  	v4 =	vmul.u32 $0x18, v50  }
0x3c: {  	v3 =	vand.u32 $0x7, v3  }
0x3d: {  	v3 =	vor.u32 v3, v4  }
0x3e: {  	v4 =	vperm.xlane v3, v0;
	_ =	sdelay $0x1  }
0x3f: {  	v4 =	vadd.s32 v1, v4;
	_ =	sdelay $0x1  }
0x40: {  	v3 =	vperm.xlane v3, v2;
	_ =	sdelay $0x1  }
0x41: {  	v3 =	vadd.s32 v1, v3  }
0x42: {  	[tilespmem:s23], [sflag:$0x1] =	stream.indirect_vreg.gather [hbm4b:s3+s2], $0x80, v4, vm0, $0xb8;
	[tilespmem:$0xC080] =	vst v63  }
0x43: {  	_ = 	snop  }
0x44: {  	[tilespmem:s24], [sflag:$0x1] =	stream.indirect_vreg.gather [hbm4b:s4+s2], $0x80, v4, vm1, $0xb8;
	[tilespmem:$0xC080] =	vst v63  }
0x45: {  	_ = 	snop  }
0x46: {  	[tilespmem:s25], [sflag:$0x1] =	stream.indirect_vreg.gather [hbm4b:s3+s2], $0x80, v3, vm0, $0xb8;
	[tilespmem:$0xC080] =	vst v63  }
0x47: {  	_ = 	snop  }
0x48: {  	[tilespmem:s26], [sflag:$0x1] =	stream.indirect_vreg.gather [hbm4b:s4+s2], $0x80, v3, vm1, $0xb8;
	[tilespmem:$0xC080] =	vst v63  }
0x49: {  	v3 =	vld [tilespmem:$0x30];
	_ =	sdelay $0x4  }
0x4a: {  	v51 =	vshrl.u32 v3, $0x3  }
0x4b: {  	v4 =	vmul.u32 $0x18, v51  }
0x4c: {  	v3 =	vand.u32 $0x7, v3  }
0x4d: {  	v3 =	vor.u32 v3, v4  }
0x4e: {  	v4 =	vperm.xlane v3, v0;
	_ =	sdelay $0x1  }
0x4f: {  	v4 =	vadd.s32 v1, v4;
	_ =	sdelay $0x1  }
0x50: {  	v3 =	vperm.xlane v3, v2;
	_ =	sdelay $0x1  }
0x51: {  	v3 =	vadd.s32 v1, v3  }
0x52: {  	[tilespmem:s28], [sflag:$0x1] =	stream.indirect_vreg.gather [hbm4b:s3+s2], $0x80, v4, vm0, $0xb8;
	[tilespmem:$0xC080] =	vst v63  }
0x53: {  	_ = 	snop  }
0x54: {  	[tilespmem:s29], [sflag:$0x1] =	stream.indirect_vreg.gather [hbm4b:s4+s2], $0x80, v4, vm1, $0xb8;
	[tilespmem:$0xC080] =	vst v63  }
0x55: {  	_ = 	snop  }
0x56: {  	[tilespmem:s30], [sflag:$0x1] =	stream.indirect_vreg.gather [hbm4b:s3+s2], $0x80, v3, vm0, $0xb8;
	[tilespmem:$0xC080] =	vst v63  }
0x57: {  	_ = 	snop  }
0x58: {  	[tilespmem:s31], [sflag:$0x1] =	stream.indirect_vreg.gather [hbm4b:s4+s2], $0x80, v3, vm1, $0xb8;
	[tilespmem:$0xC080] =	vst v63  }
0x59: {  	v3 =	vld [tilespmem:$0x40];
	_ =	sdelay $0x4  }
0x5a: {  	v52 =	vshrl.u32 v3, $0x3  }
0x5b: {  	v4 =	vmul.u32 $0x18, v52  }
0x5c: {  	v3 =	vand.u32 $0x7, v3  }
0x5d: {  	v3 =	vor.u32 v3, v4  }
0x5e: {  	v4 =	vperm.xlane v3, v0;
	_ =	sdelay $0x1  }
0x5f: {  	v4 =	vadd.s32 v1, v4;
	_ =	sdelay $0x1  }
0x60: {  	v3 =	vperm.xlane v3, v2;
	_ =	sdelay $0x1  }
0x61: {  	s1 =	simm.s32 $0x6080;
	v3 =	vadd.s32 v1, v3  }
0x62: {  	[tilespmem:s1], [sflag:$0x1] =	stream.indirect_vreg.gather [hbm4b:s3+s2], $0x80, v4, vm0, $0xb8;
	[tilespmem:$0xC080] =	vst v63  }
0x63: {  	s1 =	simm.s32 $0x6880  }
0x64: {  	[tilespmem:s1], [sflag:$0x1] =	stream.indirect_vreg.gather [hbm4b:s4+s2], $0x80, v4, vm1, $0xb8;
	[tilespmem:$0xC080] =	vst v63  }
0x65: {  	_ = 	snop  }
0x66: {  	[tilespmem:s8], [sflag:$0x1] =	stream.indirect_vreg.gather [hbm4b:s3+s2], $0x80, v3, vm0, $0xb8;
	[tilespmem:$0xC080] =	vst v63  }
0x67: {  	_ = 	snop  }
0x68: {  	[tilespmem:s9], [sflag:$0x1] =	stream.indirect_vreg.gather [hbm4b:s4+s2], $0x80, v3, vm1, $0xb8;
	[tilespmem:$0xC080] =	vst v63  }
0x69: {  	v3 =	vld [tilespmem:$0x50];
	_ =	sdelay $0x4  }
0x6a: {  	v53 =	vshrl.u32 v3, $0x3  }
0x6b: {  	v4 =	vmul.u32 $0x18, v53  }
0x6c: {  	v3 =	vand.u32 $0x7, v3  }
0x6d: {  	v3 =	vor.u32 v3, v4  }
0x6e: {  	v4 =	vperm.xlane v3, v0;
	_ =	sdelay $0x1  }
0x6f: {  	v4 =	vadd.s32 v1, v4;
	_ =	sdelay $0x1  }
0x70: {  	v3 =	vperm.xlane v3, v2;
	_ =	sdelay $0x1  }
0x71: {  	v3 =	vadd.s32 v1, v3  }
0x72: {  	[tilespmem:s10], [sflag:$0x1] =	stream.indirect_vreg.gather [hbm4b:s3+s2], $0x80, v4, vm0, $0xb8;
	[tilespmem:$0xC080] =	vst v63  }
0x73: {  	_ = 	snop  }
0x74: {  	[tilespmem:s11], [sflag:$0x1] =	stream.indirect_vreg.gather [hbm4b:s4+s2], $0x80, v4, vm1, $0xb8;
	[tilespmem:$0xC080] =	vst v63  }
0x75: {  	_ = 	snop  }
0x76: {  	[tilespmem:s12], [sflag:$0x1] =	stream.indirect_vreg.gather [hbm4b:s3+s2], $0x80, v3, vm0, $0xb8;
	[tilespmem:$0xC080] =	vst v63  }
0x77: {  	_ = 	snop  }
0x78: {  	[tilespmem:s13], [sflag:$0x1] =	stream.indirect_vreg.gather [hbm4b:s4+s2], $0x80, v3, vm1, $0xb8;
	[tilespmem:$0xC080] =	vst v63  }
0x79: {  	v3 =	vld [tilespmem:$0x60];
	_ =	sdelay $0x4  }
0x7a: {  	v54 =	vshrl.u32 v3, $0x3  }
0x7b: {  	v4 =	vmul.u32 $0x18, v54  }
0x7c: {  	v3 =	vand.u32 $0x7, v3  }
0x7d: {  	v3 =	vor.u32 v3, v4  }
0x7e: {  	v4 =	vperm.xlane v3, v0;
	_ =	sdelay $0x1  }
0x7f: {  	v4 =	vadd.s32 v1, v4;
	_ =	sdelay $0x1  }
0x80: {  	v3 =	vperm.xlane v3, v2;
	_ =	sdelay $0x1  }
0x81: {  	v3 =	vadd.s32 v1, v3  }
0x82: {  	[tilespmem:s7], [sflag:$0x1] =	stream.indirect_vreg.gather [hbm4b:s3+s2], $0x80, v4, vm0, $0xb8;
	[tilespmem:$0xC080] =	vst v63  }
0x83: {  	s15 =	simm.s32 $0x9880  }
0x84: {  	[tilespmem:s15], [sflag:$0x1] =	stream.indirect_vreg.gather [hbm4b:s4+s2], $0x80, v4, vm1, $0xb8;
	[tilespmem:$0xC080] =	vst v63  }
0x85: {  	s15 =	simm.s32 $0x9C80  }
0x86: {  	[tilespmem:s15], [sflag:$0x1] =	stream.indirect_vreg.gather [hbm4b:s3+s2], $0x80, v3, vm0, $0xb8;
	[tilespmem:$0xC080] =	vst v63  }
0x87: {  	s15 =	simm.s32 $0xA480  }
0x88: {  	[tilespmem:s15], [sflag:$0x1] =	stream.indirect_vreg.gather [hbm4b:s4+s2], $0x80, v3, vm1, $0xb8;
	[tilespmem:$0xC080] =	vst v63  }
0x89: {  	v3 =	vld [tilespmem:$0x70];
	_ =	sdelay $0x4  }
0x8a: {  	v55 =	vshrl.u32 v3, $0x3  }
0x8b: {  	v4 =	vmul.u32 $0x18, v55  }
0x8c: {  	v3 =	vand.u32 $0x7, v3  }
0x8d: {  	v3 =	vor.u32 v3, v4  }
0x8e: {  	v4 =	vperm.xlane v3, v0;
	_ =	sdelay $0x1  }
0x8f: {  	v4 =	vadd.s32 v1, v4;
	_ =	sdelay $0x1  }
0x90: {  	v3 =	vperm.xlane v3, v2;
	_ =	sdelay $0x1  }
0x91: {  	s15 =	simm.s32 $0xA880;
	v3 =	vadd.s32 v1, v3  }
0x92: {  	[tilespmem:s15], [sflag:$0x1] =	stream.indirect_vreg.gather [hbm4b:s3+s2], $0x80, v4, vm0, $0xb8;
	[tilespmem:$0xC080] =	vst v63  }
0x93: {  	s15 =	simm.s32 $0xB080  }
0x94: {  	[tilespmem:s15], [sflag:$0x1] =	stream.indirect_vreg.gather [hbm4b:s4+s2], $0x80, v4, vm1, $0xb8;
	[tilespmem:$0xC080] =	vst v63  }
0x95: {  	s15 =	simm.s32 $0xB480  }
0x96: {  	[tilespmem:s15], [sflag:$0x1] =	stream.indirect_vreg.gather [hbm4b:s3+s2], $0x80, v3, vm0, $0xb8;
	[tilespmem:$0xC080] =	vst v63  }
0x97: {  	s15 =	simm.s32 $0xBC80  }
0x98: {  	[tilespmem:s15], [sflag:$0x1] =	stream.indirect_vreg.gather [hbm4b:s4+s2], $0x80, v3, vm1, $0xb8;
	[tilespmem:$0xC080] =	vst v63  }
0x99: {  	_ =	swait.ge [sflag:s14], $0xC000  }
0x9a: {  	[sflag:s14] =	ssyncset.done $0x0  }
0x9b: {  	s0 =	simm.s32 $0x80;
	s15 =	rddreg [dreg:$0x4];
	[sflag:s14] =	ssyncadd.s32 $0xFFFF4000  }
0x9c: {  	[hbm4b:s15+s2] =	stream.linear.scatter [tilespmem:s0], [sflag:$0x2], $0xC000, $0x38;
	[tilespmem:$0xC080] =	vst v63  }
0x9d: {  	_ =	swait.ge [sflag:s6], $0xC000  }
0x9e: {  	[sflag:s6] =	ssyncset.done $0x0  }
0x9f: {  	s15 =	rddreg [dreg:$0x5];
	[sflag:s6] =	ssyncadd.s32 $0xFFFF4000  }
0xa0: {  	[tilespmem:s2], [sflag:$0x2] =	stream.linear.gather [hbm4b:s15+s2], $0x80, $0x38;
	[tilespmem:$0xC080] =	vst v63  }
0xa1: {  	_ =	swait.ge [sflag:s6], $0x80  }
0xa2: {  	[sflag:s6] =	ssyncset.done $0x0  }
0xa3: {  	[sflag:s6] =	ssyncadd.s32 $0xFFFFFF80  }
0xa4: {  	v3 =	vld [tilespmem:$0x0];
	_ =	sdelay $0x4  }
0xa5: {  	v56 =	vshrl.u32 v3, $0x3  }
0xa6: {  	v4 =	vmul.u32 $0x18, v56  }
0xa7: {  	v3 =	vand.u32 $0x7, v3  }
0xa8: {  	v3 =	vor.u32 v3, v4  }
0xa9: {  	v4 =	vperm.xlane v3, v0;
	_ =	sdelay $0x1  }
0xaa: {  	v4 =	vadd.s32 v1, v4;
	_ =	sdelay $0x1  }
0xab: {  	v3 =	vperm.xlane v3, v2;
	_ =	sdelay $0x1  }
0xac: {  	v3 =	vadd.s32 v1, v3  }
0xad: {  	[tilespmem:s0], [sflag:$0x1] =	stream.indirect_vreg.gather [hbm4b:s3+s2], $0x80, v4, vm0, $0xb8;
	[tilespmem:$0xC080] =	vst v63  }
0xae: {  	_ = 	snop  }
0xaf: {  	[tilespmem:s16], [sflag:$0x1] =	stream.indirect_vreg.gather [hbm4b:s4+s2], $0x80, v4, vm1, $0xb8;
	[tilespmem:$0xC080] =	vst v63  }
0xb0: {  	_ = 	snop  }
0xb1: {  	[tilespmem:s17], [sflag:$0x1] =	stream.indirect_vreg.gather [hbm4b:s3+s2], $0x80, v3, vm0, $0xb8;
	[tilespmem:$0xC080] =	vst v63  }
0xb2: {  	_ = 	snop  }
0xb3: {  	[tilespmem:s18], [sflag:$0x1] =	stream.indirect_vreg.gather [hbm4b:s4+s2], $0x80, v3, vm1, $0xb8;
	[tilespmem:$0xC080] =	vst v63  }
0xb4: {  	v3 =	vld [tilespmem:$0x10];
	_ =	sdelay $0x4  }
0xb5: {  	v57 =	vshrl.u32 v3, $0x3  }
0xb6: {  	v4 =	vmul.u32 $0x18, v57  }
0xb7: {  	v3 =	vand.u32 $0x7, v3  }
0xb8: {  	v3 =	vor.u32 v3, v4  }
0xb9: {  	v4 =	vperm.xlane v3, v0;
	_ =	sdelay $0x1  }
0xba: {  	v4 =	vadd.s32 v1, v4;
	_ =	sdelay $0x1  }
0xbb: {  	v3 =	vperm.xlane v3, v2;
	_ =	sdelay $0x1  }
0xbc: {  	v3 =	vadd.s32 v1, v3  }
0xbd: {  	[tilespmem:s19], [sflag:$0x1] =	stream.indirect_vreg.gather [hbm4b:s3+s2], $0x80, v4, vm0, $0xb8;
	[tilespmem:$0xC080] =	vst v63  }
0xbe: {  	_ = 	snop  }
0xbf: {  	[tilespmem:s20], [sflag:$0x1] =	stream.indirect_vreg.gather [hbm4b:s4+s2], $0x80, v4, vm1, $0xb8;
	[tilespmem:$0xC080] =	vst v63  }
0xc0: {  	_ = 	snop  }
0xc1: {  	[tilespmem:s21], [sflag:$0x1] =	stream.indirect_vreg.gather [hbm4b:s3+s2], $0x80, v3, vm0, $0xb8;
	[tilespmem:$0xC080] =	vst v63  }
0xc2: {  	_ = 	snop  }
0xc3: {  	[tilespmem:s22], [sflag:$0x1] =	stream.indirect_vreg.gather [hbm4b:s4+s2], $0x80, v3, vm1, $0xb8;
	[tilespmem:$0xC080] =	vst v63  }
0xc4: {  	v3 =	vld [tilespmem:$0x20];
	_ =	sdelay $0x4  }
0xc5: {  	v58 =	vshrl.u32 v3, $0x3  }
0xc6: {  	v4 =	vmul.u32 $0x18, v58  }
0xc7: {  	v3 =	vand.u32 $0x7, v3  }
0xc8: {  	v3 =	vor.u32 v3, v4  }
0xc9: {  	v4 =	vperm.xlane v3, v0;
	_ =	sdelay $0x1  }
0xca: {  	v4 =	vadd.s32 v1, v4;
	_ =	sdelay $0x1  }
0xcb: {  	v3 =	vperm.xlane v3, v2;
	_ =	sdelay $0x1  }
0xcc: {  	v3 =	vadd.s32 v1, v3  }
0xcd: {  	[tilespmem:s23], [sflag:$0x1] =	stream.indirect_vreg.gather [hbm4b:s3+s2], $0x80, v4, vm0, $0xb8;
	[tilespmem:$0xC080] =	vst v63  }
0xce: {  	_ = 	snop  }
0xcf: {  	[tilespmem:s24], [sflag:$0x1] =	stream.indirect_vreg.gather [hbm4b:s4+s2], $0x80, v4, vm1, $0xb8;
	[tilespmem:$0xC080] =	vst v63  }
0xd0: {  	_ = 	snop  }
0xd1: {  	[tilespmem:s25], [sflag:$0x1] =	stream.indirect_vreg.gather [hbm4b:s3+s2], $0x80, v3, vm0, $0xb8;
	[tilespmem:$0xC080] =	vst v63  }
0xd2: {  	_ = 	snop  }
0xd3: {  	[tilespmem:s26], [sflag:$0x1] =	stream.indirect_vreg.gather [hbm4b:s4+s2], $0x80, v3, vm1, $0xb8;
	[tilespmem:$0xC080] =	vst v63  }
0xd4: {  	v3 =	vld [tilespmem:$0x30];
	_ =	sdelay $0x4  }
0xd5: {  	v59 =	vshrl.u32 v3, $0x3  }
0xd6: {  	v4 =	vmul.u32 $0x18, v59  }
0xd7: {  	v3 =	vand.u32 $0x7, v3  }
0xd8: {  	v3 =	vor.u32 v3, v4  }
0xd9: {  	v4 =	vperm.xlane v3, v0;
	_ =	sdelay $0x1  }
0xda: {  	v4 =	vadd.s32 v1, v4;
	_ =	sdelay $0x1  }
0xdb: {  	v3 =	vperm.xlane v3, v2;
	_ =	sdelay $0x1  }
0xdc: {  	v3 =	vadd.s32 v1, v3  }
0xdd: {  	[tilespmem:s28], [sflag:$0x1] =	stream.indirect_vreg.gather [hbm4b:s3+s2], $0x80, v4, vm0, $0xb8;
	[tilespmem:$0xC080] =	vst v63  }
0xde: {  	_ = 	snop  }
0xdf: {  	[tilespmem:s29], [sflag:$0x1] =	stream.indirect_vreg.gather [hbm4b:s4+s2], $0x80, v4, vm1, $0xb8;
	[tilespmem:$0xC080] =	vst v63  }
0xe0: {  	_ = 	snop  }
0xe1: {  	[tilespmem:s30], [sflag:$0x1] =	stream.indirect_vreg.gather [hbm4b:s3+s2], $0x80, v3, vm0, $0xb8;
	[tilespmem:$0xC080] =	vst v63  }
0xe2: {  	_ = 	snop  }
0xe3: {  	[tilespmem:s31], [sflag:$0x1] =	stream.indirect_vreg.gather [hbm4b:s4+s2], $0x80, v3, vm1, $0xb8;
	[tilespmem:$0xC080] =	vst v63  }
0xe4: {  	v3 =	vld [tilespmem:$0x40];
	_ =	sdelay $0x4  }
0xe5: {  	v60 =	vshrl.u32 v3, $0x3  }
0xe6: {  	v4 =	vmul.u32 $0x18, v60  }
0xe7: {  	v3 =	vand.u32 $0x7, v3  }
0xe8: {  	v3 =	vor.u32 v3, v4  }
0xe9: {  	v4 =	vperm.xlane v3, v0;
	_ =	sdelay $0x1  }
0xea: {  	v4 =	vadd.s32 v1, v4;
	_ =	sdelay $0x1  }
0xeb: {  	v3 =	vperm.xlane v3, v2;
	_ =	sdelay $0x1  }
0xec: {  	s15 =	simm.s32 $0x6080;
	v3 =	vadd.s32 v1, v3  }
0xed: {  	[tilespmem:s15], [sflag:$0x1] =	stream.indirect_vreg.gather [hbm4b:s3+s2], $0x80, v4, vm0, $0xb8;
	[tilespmem:$0xC080] =	vst v63  }
0xee: {  	_ = 	snop  }
0xef: {  	[tilespmem:s1], [sflag:$0x1] =	stream.indirect_vreg.gather [hbm4b:s4+s2], $0x80, v4, vm1, $0xb8;
	[tilespmem:$0xC080] =	vst v63  }
0xf0: {  	_ = 	snop  }
0xf1: {  	[tilespmem:s8], [sflag:$0x1] =	stream.indirect_vreg.gather [hbm4b:s3+s2], $0x80, v3, vm0, $0xb8;
	[tilespmem:$0xC080] =	vst v63  }
0xf2: {  	_ = 	snop  }
0xf3: {  	[tilespmem:s9], [sflag:$0x1] =	stream.indirect_vreg.gather [hbm4b:s4+s2], $0x80, v3, vm1, $0xb8;
	[tilespmem:$0xC080] =	vst v63  }
0xf4: {  	v3 =	vld [tilespmem:$0x50];
	_ =	sdelay $0x4  }
0xf5: {  	v61 =	vshrl.u32 v3, $0x3  }
0xf6: {  	v4 =	vmul.u32 $0x18, v61  }
0xf7: {  	v3 =	vand.u32 $0x7, v3  }
0xf8: {  	v3 =	vor.u32 v3, v4  }
0xf9: {  	v4 =	vperm.xlane v3, v0;
	_ =	sdelay $0x1  }
0xfa: {  	v4 =	vadd.s32 v1, v4;
	_ =	sdelay $0x1  }
0xfb: {  	v3 =	vperm.xlane v3, v2;
	_ =	sdelay $0x1  }
0xfc: {  	v3 =	vadd.s32 v1, v3  }
0xfd: {  	[tilespmem:s10], [sflag:$0x1] =	stream.indirect_vreg.gather [hbm4b:s3+s2], $0x80, v4, vm0, $0xb8;
	[tilespmem:$0xC080] =	vst v63  }
0xfe: {  	_ = 	snop  }
0xff: {  	[tilespmem:s11], [sflag:$0x1] =	stream.indirect_vreg.gather [hbm4b:s4+s2], $0x80, v4, vm1, $0xb8;
	[tilespmem:$0xC080] =	vst v63  }
0x100: {  	_ = 	snop  }
0x101: {  	[tilespmem:s12], [sflag:$0x1] =	stream.indirect_vreg.gather [hbm4b:s3+s2], $0x80, v3, vm0, $0xb8;
	[tilespmem:$0xC080] =	vst v63  }
0x102: {  	_ = 	snop  }
0x103: {  	[tilespmem:s13], [sflag:$0x1] =	stream.indirect_vreg.gather [hbm4b:s4+s2], $0x80, v3, vm1, $0xb8;
	[tilespmem:$0xC080] =	vst v63  }
0x104: {  	v3 =	vld [tilespmem:$0x60];
	_ =	sdelay $0x4  }
0x105: {  	v62 =	vshrl.u32 v3, $0x3  }
0x106: {  	v4 =	vmul.u32 $0x18, v62  }
0x107: {  	v3 =	vand.u32 $0x7, v3  }
0x108: {  	v3 =	vor.u32 v3, v4  }
0x109: {  	v4 =	vperm.xlane v3, v0;
	_ =	sdelay $0x1  }
0x10a: {  	v4 =	vadd.s32 v1, v4;
	_ =	sdelay $0x1  }
0x10b: {  	v3 =	vperm.xlane v3, v2;
	_ =	sdelay $0x1  }
0x10c: {  	v3 =	vadd.s32 v1, v3  }
0x10d: {  	[tilespmem:s7], [sflag:$0x1] =	stream.indirect_vreg.gather [hbm4b:s3+s2], $0x80, v4, vm0, $0xb8;
	[tilespmem:$0xC080] =	vst v63  }
0x10e: {  	s15 =	simm.s32 $0x9880  }
0x10f: {  	[tilespmem:s15], [sflag:$0x1] =	stream.indirect_vreg.gather [hbm4b:s4+s2], $0x80, v4, vm1, $0xb8;
	[tilespmem:$0xC080] =	vst v63  }
0x110: {  	s15 =	simm.s32 $0x9C80  }
0x111: {  	[tilespmem:s15], [sflag:$0x1] =	stream.indirect_vreg.gather [hbm4b:s3+s2], $0x80, v3, vm0, $0xb8;
	[tilespmem:$0xC080] =	vst v63  }
0x112: {  	s15 =	simm.s32 $0xA480  }
0x113: {  	[tilespmem:s15], [sflag:$0x1] =	stream.indirect_vreg.gather [hbm4b:s4+s2], $0x80, v3, vm1, $0xb8;
	[tilespmem:$0xC080] =	vst v63  }
0x114: {  	v3 =	vld [tilespmem:$0x70];
	_ =	sdelay $0x4  }
0x115: {  	v63 =	vshrl.u32 v3, $0x3  }
0x116: {  	v4 =	vmul.u32 $0x18, v63  }
0x117: {  	v3 =	vand.u32 $0x7, v3  }
0x118: {  	v3 =	vor.u32 v3, v4  }
0x119: {  	v4 =	vperm.xlane v3, v0;
	_ =	sdelay $0x1  }
0x11a: {  	v4 =	vadd.s32 v1, v4;
	_ =	sdelay $0x1  }
0x11b: {  	v3 =	vperm.xlane v3, v2;
	_ =	sdelay $0x1  }
0x11c: {  	s15 =	simm.s32 $0xA880;
	v3 =	vadd.s32 v1, v3  }
0x11d: {  	[tilespmem:s15], [sflag:$0x1] =	stream.indirect_vreg.gather [hbm4b:s3+s2], $0x80, v4, vm0, $0xb8;
	[tilespmem:$0xC080] =	vst v63  }
0x11e: {  	s15 =	simm.s32 $0xB080  }
0x11f: {  	[tilespmem:s15], [sflag:$0x1] =	stream.indirect_vreg.gather [hbm4b:s4+s2], $0x80, v4, vm1, $0xb8;
	[tilespmem:$0xC080] =	vst v63  }
0x120: {  	s15 =	simm.s32 $0xB480  }
0x121: {  	[tilespmem:s15], [sflag:$0x1] =	stream.indirect_vreg.gather [hbm4b:s3+s2], $0x80, v3, vm0, $0xb8;
	[tilespmem:$0xC080] =	vst v63  }
0x122: {  	s15 =	simm.s32 $0xBC80  }
0x123: {  	[tilespmem:s15], [sflag:$0x1] =	stream.indirect_vreg.gather [hbm4b:s4+s2], $0x80, v3, vm1, $0xb8;
	[tilespmem:$0xC080] =	vst v63  }
0x124: {  	_ =	swait.ge [sflag:s14], $0xC000  }
0x125: {  	p0 =	sne.s32 s5, $0x1;
	s0 =	simm.s32 $0x80;
	[sflag:s14] =	ssyncset.done $0x0  }
.Ltmp0:
0x126: {  	s1 =	rddreg [dreg:$0x6];
	[sflag:s14] =	ssyncadd.s32 $0xFFFF4000;
	(pc) =	sbr.rel @p0 .LBB2_1-.Ltmp0, $4  }
0x127: {  	[hbm4b:s1+s2] =	stream.linear.scatter [tilespmem:s0], [sflag:$0x2], $0xC000, $0x38;
	[tilespmem:$0xC080] =	vst v63  }
0x128: {  	_ =	swait.ge [sflag:s6], $0xC000  }
0x129: {  	[sflag:s6] =	ssyncset.done $0x0  }
0x12a: {  	s5 =	sadd.s32 $0xFFFFFFFF, s5;
	[sflag:s6] =	ssyncadd.s32 $0xFFFF4000  }
0x12b: {  	_ =	sfence.sel $0x180000  }
0x12c: {  	[bflag:$0x0] =	sbarrier.arrive $0xFFFF  }
0x12d: {  	_ =	strace $0x90000047  }
0x12e: {  	s0 =	stileid.u32;
	[bflag:$0x2] =	sbarrier.arrive $0xFFFF  }
0x12f: {  	p0 =	sne.s32 s0, $0x0;
	s0 =	rddreg [dreg:$0x2]  }
0x130: {  	s0 =	sadd.s32 @!p0 $0x100000, s0  }
0x131: {  	[sflag:s0] =	ssyncadd.tile.s32 @!p0 $0x1;
	_ =	shalt  }
.Lfunc_end2:
_tile_overlayer_lowered:
.L_overlay_start_2:
0x132: {  	(tag) =	ssettag $0x2  }
0x133: {  	s0 =	rddreg [dreg:$0x0];
	s2 =	stileid.u32  }
0x134: {  	s1 =	rddreg [dreg:$0x1];
	p0 =	sne.s32 s2, $0x0  }
0x135: {  	s3 =	rddreg [dreg:$0x2];
	[bflag:$0x3] =	sbarrier.arrive $0xFFFF;
	s2 =	simm.s32 @!p0 $0x1C02  }
0x136: {  	[timem:s3], [sflag:s2] =	dma.local @!p0 [hbm:s0], s1  }
0x137: {  	s0 =	simm.s32 @!p0 $0x2  }
0x138: {  	_ =	swait.ge @!p0 [sflag:s0], s1  }
0x139: {  	s1 =	ssub.s32 @!p0 $0x0, s1;
	[sflag:s0] =	ssyncset.done @!p0 $0x0  }
0x13a: {  	[sflag:s0] =	ssyncadd.s32 @!p0 s1  }
0x13b: {  	[bflag:$0x3] =	sbarrier.arrive $0xFFFF  }
0x13c: {  	_ =	shalt  }

</sc_bundles>
